<compile_context>
chip_gen: v7x
topology: tpu7x:2x2x1
jax: 0.10.2.dev20260603
libtpu: 0.0.44.dev20260713+nightly
codegen_flags: <defaults>
</compile_context>

<pallas_src>
import functools

import jax
import jax.numpy as jnp
from jax import lax
from jax.experimental import pallas as pl
from jax.experimental.pallas import tpu as pltpu
from jax.experimental.pallas import tpu_sc as plsc

_F32 = jnp.float32
_CH = 128
_NB = 4
_NB5 = 2


def _sc_mesh():
    return plsc.VectorSubcoreMesh(core_axis_name="c", subcore_axis_name="s")


def _zero_fill_1d(ref, nvec):
    def body(i, carry):
        ref[pl.ds(i * 16, 16)] = jnp.zeros((16,), _F32)
        return carry
    lax.fori_loop(0, nvec, body, 0)


def _newton_rsqrt(x):
    bits = lax.bitcast_convert_type(x, jnp.int32)
    seed = lax.bitcast_convert_type(
        0x5F3759DF - lax.shift_right_logical(bits, 1), _F32)
    y = seed * (1.5 - 0.5 * x * seed * seed)
    y = y * (1.5 - 0.5 * x * y * y)
    return y


def _sc_norm(NP, NCH16, NCH32):
    rpt = NP // 16

    @functools.partial(
        pl.kernel,
        mesh=_sc_mesh(),
        out_type=(jax.ShapeDtypeStruct((2 * NP,), _F32),
                  jax.ShapeDtypeStruct((2 * NP,), _F32)),
        scratch_types=[
            pltpu.VMEM((NCH16, _CH), jnp.int32),
            pltpu.VMEM((NCH32, _CH), jnp.int32),
            pltpu.VMEM((NCH32, _CH), jnp.int32),
            pltpu.VMEM((_CH,), _F32),
            pltpu.VMEM((rpt,), _F32),
            pltpu.VMEM((rpt,), _F32),
            [pltpu.VMEM((_CH,), _F32)] * _NB,
            pltpu.VMEM_SHARED((NP,), _F32),
            pltpu.VMEM_SHARED((NP,), _F32),
            [pltpu.SemaphoreType.DMA] * _NB,
        ],
    )
    def k(srcc16, srcc32, dstc32, dinv_out, sp_out,
          idxh, isrc, idst, ones_v, zeros_v, degv, vrows, acc, dinv_sp,
          sems):
        cid = lax.axis_index("c")
        sid = lax.axis_index("s")
        wid = sid * 2 + cid
        hid = cid * 16 + sid
        for t in range(_CH // 16):
            ones_v[pl.ds(t * 16, 16)] = jnp.ones((16,), _F32)
        _zero_fill_1d(zeros_v, rpt // 16)
        pltpu.sync_copy(zeros_v, acc.at[pl.ds(sid * rpt, rpt)])
        pltpu.sync_copy(srcc16.at[hid], idxh)
        pltpu.sync_copy(srcc32.at[wid], isrc)
        pltpu.sync_copy(dstc32.at[wid], idst)
        plsc.subcore_barrier()

        def hbody(j, carry):
            pltpu.sync_copy(ones_v, acc.at[idxh.at[j]], add=True)
            return carry
        lax.fori_loop(0, NCH16, hbody, 0)
        plsc.subcore_barrier()

        pltpu.sync_copy(acc.at[pl.ds(sid * rpt, rpt)], degv)

        def rbody(i, carry):
            x = degv[pl.ds(i * 16, 16)] + 1.0
            degv[pl.ds(i * 16, 16)] = _newton_rsqrt(x)
            return carry
        lax.fori_loop(0, rpt // 16, rbody, 0)
        pltpu.sync_copy(
            degv, dinv_out.at[pl.ds(cid * NP + sid * rpt, rpt)])
        pltpu.sync_copy(degv, dinv_sp.at[pl.ds(sid * rpt, rpt)])
        pltpu.sync_copy(zeros_v, acc.at[pl.ds(sid * rpt, rpt)])
        plsc.subcore_barrier()

        for b in range(_NB):
            pltpu.async_copy(dinv_sp.at[isrc.at[b]], vrows[b], sems[b])

        def sbody(q, carry):
            for b in range(_NB):
                e = q * _NB + b
                pltpu.make_async_copy(
                    dinv_sp.at[pl.ds(0, _CH)], vrows[b], sems[b]).wait()
                pltpu.sync_copy(vrows[b], acc.at[idst.at[e]], add=True)
                nxt = jnp.minimum(e + _NB, NCH32 - 1)
                pltpu.async_copy(
                    dinv_sp.at[isrc.at[nxt]], vrows[b], sems[b])
            return carry
        lax.fori_loop(0, NCH32 // _NB, sbody, 0)
        for b in range(_NB):
            pltpu.make_async_copy(
                dinv_out.at[pl.ds(0, _CH)], vrows[b], sems[b]).wait()
        plsc.subcore_barrier()
        pltpu.sync_copy(acc.at[pl.ds(sid * rpt, rpt)],
                        sp_out.at[pl.ds(cid * NP + sid * rpt, rpt)])

    return k


def _sc_aggregate(NP, NCH, D):
    rpt = NP // 16
    nzc = rpt // _CH
    HCH = NCH // 2

    @functools.partial(
        pl.kernel,
        mesh=_sc_mesh(),
        out_type=jax.ShapeDtypeStruct((2 * NP, D), _F32),
        compiler_params=pltpu.CompilerParams(use_tc_tiling_on_sc=False),
        scratch_types=[
            pltpu.VMEM((HCH, _CH), jnp.int32),
            pltpu.VMEM((HCH, _CH), jnp.int32),
            [pltpu.VMEM((_CH, D), _F32)] * 2,
            pltpu.VMEM_SHARED((NP, D), _F32),
            [pltpu.SemaphoreType.DMA] * 2,
        ],
    )
    def k(srcc, dstc, xws, out, isrc, idst, rows2, acc, gsems):
        cid = lax.axis_index("c")
        sid = lax.axis_index("s")
        wid = sid * 2 + cid

        def zrow(i, carry):
            for t in range(D // 16):
                rows2[0][i, pl.ds(t * 16, 16)] = jnp.zeros((16,), _F32)
            return carry
        lax.fori_loop(0, _CH, zrow, 0)
        for t in range(nzc):
            pltpu.sync_copy(
                rows2[0], acc.at[pl.ds(sid * rpt + t * _CH, _CH), :])
        plsc.subcore_barrier()

        for p in range(2):
            pltpu.sync_copy(srcc.at[wid, p], isrc)
            pltpu.sync_copy(dstc.at[wid, p], idst)
            for b in range(2):
                pltpu.async_copy(xws.at[isrc.at[b]], rows2[b], gsems[b])

            def body(q, carry):
                for b in range(2):
                    e = q * 2 + b
                    pltpu.make_async_copy(
                        xws.at[pl.ds(0, _CH), :], rows2[b],
                        gsems[b]).wait()
                    pltpu.sync_copy(rows2[b], acc.at[idst.at[e]], add=True)
                    nxt = jnp.minimum(e + 2, HCH - 1)
                    pltpu.async_copy(
                        xws.at[isrc.at[nxt]], rows2[b], gsems[b])
                return carry
            lax.fori_loop(0, HCH // 2, body, 0)
            for b in range(2):
                pltpu.make_async_copy(
                    xws.at[pl.ds(0, _CH), :], rows2[b], gsems[b]).wait()
        plsc.subcore_barrier()
        for t in range(nzc):
            pltpu.sync_copy(
                acc.at[pl.ds(sid * rpt + t * _CH, _CH), :],
                out.at[pl.ds(cid * NP + sid * rpt + t * _CH, _CH), :])

    return k


def _tc_chain(NP, D):
    R = NP // D

    def body(dinv_ref, sp_ref, c_ref, q_ref):
        dinv = dinv_ref[...]
        s = sp_ref[0] + sp_ref[1]
        deg2 = dinv * s + dinv * dinv + 2.0
        dinv2 = lax.rsqrt(deg2)
        c = dinv * dinv2
        c_ref[...] = c
        q_ref[...] = (c * c + 2.0 * dinv2 * dinv2) / c

    return pl.pallas_call(
        body,
        out_shape=(jax.ShapeDtypeStruct((R, D), _F32),
                   jax.ShapeDtypeStruct((R, D), _F32)),
    )


def _tc_scale_mm(NP, n, D):
    def body(x_ref, w_ref, c_ref, xws_ref):
        xw = lax.dot_general(
            x_ref[...], w_ref[...], (((1,), (1,)), ((), ())),
            precision=lax.Precision.HIGHEST,
            preferred_element_type=_F32)
        xws_ref[pl.ds(0, n), :] = xw * c_ref[pl.ds(0, n), :]
        xws_ref[pl.ds(n, NP - n), :] = jnp.zeros((NP - n, D), _F32)

    return pl.pallas_call(
        body,
        out_shape=jax.ShapeDtypeStruct((NP, D), _F32),
    )


def _tc_epilogue(NP, n, D):

    def body(agg_ref, xws_ref, x_ref, c_ref, q_ref,
             b_ref, g_ref, be_ref, y_ref):
        agg = agg_ref[pl.ds(0, n), :] + agg_ref[pl.ds(NP, n), :]
        out = (c_ref[pl.ds(0, n), :] * agg
               + q_ref[pl.ds(0, n), :] * xws_ref[pl.ds(0, n), :]
               + b_ref[...])
        mean = jnp.mean(out, axis=0, keepdims=True)
        var = jnp.mean((out - mean) ** 2, axis=0, keepdims=True)
        h = (out - mean) * lax.rsqrt(var + 1e-5) * g_ref[...] + be_ref[...]
        h = jnp.where(h > 0, h, 0.1 * h)
        y = h + x_ref[...]
        y_ref[...] = jnp.where(y > 0, y, 0.1 * y)

    return pl.pallas_call(
        body,
        out_shape=jax.ShapeDtypeStruct((n, D), _F32),
    )


def kernel(x, edge_index, W, b, gamma, beta):
    n, d = x.shape
    dh = d // 2
    e = edge_index.shape[1]
    grain32 = 32 * _CH * _NB
    EP = -(-e // grain32) * grain32
    NCH32 = EP // (32 * _CH)
    NCH16 = EP // (16 * _CH)
    NP = -(-(n + 16) // 256) * 256

    pad = EP - e
    padv = n + (jnp.arange(pad, dtype=jnp.int32) % 16)
    src = jnp.concatenate([edge_index[0], padv])
    dst = jnp.concatenate([edge_index[1], padv])
    srcc32 = src.reshape(32, NCH32, _CH)
    dstc32 = dst.reshape(32, NCH32, _CH)

    NCH16 = EP // (16 * _CH)
    src16 = src.reshape(1, 16, NCH16, _CH)
    srcc16 = jnp.concatenate([src16, src16], axis=0).reshape(
        32, NCH16, _CH)
    dinv2x, sp = _sc_norm(NP, NCH16, NCH32)(srcc16, srcc32, dstc32)
    R = NP // d
    c2d, q2d = _tc_chain(NP, d)(
        dinv2x[:NP].reshape(R, d), sp.reshape(2, R, d))
    c_col = c2d.reshape(NP, 1)
    q_col = q2d.reshape(NP, 1)
    xws = _tc_scale_mm(NP, n, d)(x, W, c_col)
    srcc32h = srcc32.reshape(32, 2, NCH32 // 2, _CH)
    dstc32h = dstc32.reshape(32, 2, NCH32 // 2, _CH)
    aggp = _sc_aggregate(NP, NCH32, d)(srcc32h, dstc32h, xws)
    y = _tc_epilogue(NP, n, d)(
        aggp, xws, x, c_col, q_col,
        b.reshape(1, d), gamma.reshape(1, d), beta.reshape(1, d))
    return y

# --- scband reference (transcript-rebuilt; emitter-appended) ---
"""Pipeline reference for scband-residual-block-18743237280519 (READ-ONLY COPY).

The authoritative reference and input builder live on the scoring server;
editing this copy changes nothing except your own understanding.
"""

import jax, jax.numpy as jnp
import numpy as np

N = 10000
E = 320000
D = 128


def setup_inputs(seed: int = 0) -> dict:
    key = jax.random.key(seed)
    k1, k2, k3 = jax.random.split(key, 3)
    x = jax.random.normal(k1, (N, D), dtype=jnp.float32)
    edge_index = jax.random.randint(k2, (2, E), 0, N, dtype=jnp.int32)
    # GCNConv lin weight (xavier_uniform with leaky_relu gain), bias zeros
    gain = float(np.sqrt(2.0 / (1.0 + 0.1 ** 2)))
    bound = gain * float(np.sqrt(6.0 / (D + D)))
    W = jax.random.uniform(k3, (D, D), dtype=jnp.float32, minval=-bound, maxval=bound)
    b = jnp.zeros((D,), dtype=jnp.float32)
    gamma = jnp.ones((D,), dtype=jnp.float32)
    beta = jnp.zeros((D,), dtype=jnp.float32)
    return {"x": x, "edge_index": edge_index, "W": W, "b": b, "gamma": gamma, "beta": beta}


def reference(x, edge_index, W, b, gamma, beta):
    n = x.shape[0]
    # shortcut is Identity (in_channels == out_channels)
    residual = x
    # outer add_self_loops + symmetric norm (passed to GCNConv as edge_weight)
    loop = jnp.arange(n, dtype=edge_index.dtype)
    ei = jnp.concatenate([edge_index, jnp.stack([loop, loop])], axis=1)
    deg = jnp.zeros((n,), dtype=x.dtype).at[ei[0]].add(1.0)
    dinv = jnp.where(deg > 0, deg ** -0.5, 0.0)
    norm = dinv[ei[0]] * dinv[ei[1]]
    # GCNConv: linear transform (no bias in lin)
    xw = x @ W.T
    # internal gcn_norm: add_self_loops=True, improved=True -> fill_value=2.0
    ei2 = jnp.concatenate([ei, jnp.stack([loop, loop])], axis=1)
    ew = jnp.concatenate([norm, 2.0 * jnp.ones((n,), dtype=x.dtype)])
    deg2 = jnp.zeros((n,), dtype=x.dtype).at[ei2[1]].add(ew)
    dinv2 = jnp.where(deg2 > 0, deg2 ** -0.5, 0.0)
    ew2 = dinv2[ei2[0]] * ew * dinv2[ei2[1]]
    # message passing: gather from src, scatter-add to dst
    msg = xw[ei2[0]] * ew2[:, None]
    out = jnp.zeros_like(xw).at[ei2[1]].add(msg) + b
    # BatchNorm1d (training-mode batch statistics, eps=1e-5)
    mean = out.mean(axis=0)
    var = out.var(axis=0)
    h = (out - mean) / jnp.sqrt(var + 1e-5) * gamma + beta
    # LeakyReLU(0.1)
    h = jnp.where(h > 0, h, 0.1 * h)
    # dropout: identity in eval reference
    y = h + residual
    return jnp.where(y > 0, y, 0.1 * y)

if __name__ == "__main__":
    import jax
    _d = setup_inputs()
    print(jax.jit(kernel)(*tuple(_d.values())))

</pallas_src>

<mosaic_0001>
#map = affine_map<(d0, d1) -> (0, 0, 0)>
#map1 = affine_map<(d0, d1) -> (0)>
module attributes {stable_mosaic.version = 14 : i64} {
  func.func @k(%arg0: i32, %arg1: i32, %arg2: memref<32x160x128xi32, #tpu.memory_space<hbm>>, %arg3: memref<32x80x128xi32, #tpu.memory_space<hbm>>, %arg4: memref<32x80x128xi32, #tpu.memory_space<hbm>>, %arg5: memref<20480xf32, #tpu.memory_space<hbm>>, %arg6: memref<20480xf32, #tpu.memory_space<hbm>>, %arg7: memref<160x128xi32, #tpu.memory_space<vmem>>, %arg8: memref<80x128xi32, #tpu.memory_space<vmem>>, %arg9: memref<80x128xi32, #tpu.memory_space<vmem>>, %arg10: memref<128xf32, #tpu.memory_space<vmem>>, %arg11: memref<640xf32, #tpu.memory_space<vmem>>, %arg12: memref<640xf32, #tpu.memory_space<vmem>>, %arg13: memref<128xf32, #tpu.memory_space<vmem>>, %arg14: memref<128xf32, #tpu.memory_space<vmem>>, %arg15: memref<128xf32, #tpu.memory_space<vmem>>, %arg16: memref<128xf32, #tpu.memory_space<vmem>>, %arg17: memref<10240xf32, #tpu.memory_space<vmem_shared>>, %arg18: memref<10240xf32, #tpu.memory_space<vmem_shared>>, %arg19: memref<!tpu.dma_semaphore, #tpu.memory_space<semaphore_mem>>, %arg20: memref<!tpu.dma_semaphore, #tpu.memory_space<semaphore_mem>>, %arg21: memref<!tpu.dma_semaphore, #tpu.memory_space<semaphore_mem>>, %arg22: memref<!tpu.dma_semaphore, #tpu.memory_space<semaphore_mem>>) attributes {dimension_semantics = [#tpu.dimension_semantics<core_parallel>, #tpu.dimension_semantics<subcore_parallel>], iteration_bounds = array<i64: 2, 16>, scalar_prefetch = 0 : i64, scratch_operands = 16 : i64, tpu.core_type = #tpu.core_type<sc_vector_subcore>, window_params = [{transform_indices = #map}, {transform_indices = #map}, {transform_indices = #map}, {transform_indices = #map1}, {transform_indices = #map1}]} {
    %mul3A = arith.constant 2 : i32
    %mul3A_0 = arith.muli %arg1, %mul3A : i32
    %add3A = arith.addi %mul3A_0, %arg0 : i32
    %mul3A_1 = arith.constant 16 : i32
    %mul3A_2 = arith.muli %arg0, %mul3A_1 : i32
    %add3A_3 = arith.addi %mul3A_2, %arg1 : i32
    %broadcast_in_dim3A = arith.constant 1.000000e+00 : f32
    %broadcast_in_dim3A_4 = vector.broadcast %broadcast_in_dim3A : f32 to vector<16xf32>
    %swap3A = arith.constant 0 : index
    %swap3A_5 = tpu.vector_load %arg10[%swap3A] {strides = array<i32>} : memref<128xf32, #tpu.memory_space<vmem>>, vector<16xf32>,
    %swap3A_6 = vector.shape_cast %swap3A_5 : vector<16xf32> to vector<16xf32>
    %swap3A_7 = vector.shape_cast %broadcast_in_dim3A_4 : vector<16xf32> to vector<16xf32>
    tpu.vector_store %arg10[%swap3A], %swap3A_7 {strides = array<i32>} : memref<128xf32, #tpu.memory_space<vmem>>, vector<16xf32>,
    %broadcast_in_dim3A_8 = arith.constant 1.000000e+00 : f32
    %broadcast_in_dim3A_9 = vector.broadcast %broadcast_in_dim3A_8 : f32 to vector<16xf32>
    %swap3A_10 = arith.constant 16 : index
    %swap3A_11 = tpu.vector_load %arg10[%swap3A_10] {strides = array<i32>} : memref<128xf32, #tpu.memory_space<vmem>>, vector<16xf32>,
    %swap3A_12 = vector.shape_cast %swap3A_11 : vector<16xf32> to vector<16xf32>
    %swap3A_13 = vector.shape_cast %broadcast_in_dim3A_9 : vector<16xf32> to vector<16xf32>
    tpu.vector_store %arg10[%swap3A_10], %swap3A_13 {strides = array<i32>} : memref<128xf32, #tpu.memory_space<vmem>>, vector<16xf32>,
    %broadcast_in_dim3A_14 = arith.constant 1.000000e+00 : f32
    %broadcast_in_dim3A_15 = vector.broadcast %broadcast_in_dim3A_14 : f32 to vector<16xf32>
    %swap3A_16 = arith.constant 32 : index
    %swap3A_17 = tpu.vector_load %arg10[%swap3A_16] {strides = array<i32>} : memref<128xf32, #tpu.memory_space<vmem>>, vector<16xf32>,
    %swap3A_18 = vector.shape_cast %swap3A_17 : vector<16xf32> to vector<16xf32>
    %swap3A_19 = vector.shape_cast %broadcast_in_dim3A_15 : vector<16xf32> to vector<16xf32>
    tpu.vector_store %arg10[%swap3A_16], %swap3A_19 {strides = array<i32>} : memref<128xf32, #tpu.memory_space<vmem>>, vector<16xf32>,
    %broadcast_in_dim3A_20 = arith.constant 1.000000e+00 : f32
    %broadcast_in_dim3A_21 = vector.broadcast %broadcast_in_dim3A_20 : f32 to vector<16xf32>
    %swap3A_22 = arith.constant 48 : index
    %swap3A_23 = tpu.vector_load %arg10[%swap3A_22] {strides = array<i32>} : memref<128xf32, #tpu.memory_space<vmem>>, vector<16xf32>,
    %swap3A_24 = vector.shape_cast %swap3A_23 : vector<16xf32> to vector<16xf32>
    %swap3A_25 = vector.shape_cast %broadcast_in_dim3A_21 : vector<16xf32> to vector<16xf32>
    tpu.vector_store %arg10[%swap3A_22], %swap3A_25 {strides = array<i32>} : memref<128xf32, #tpu.memory_space<vmem>>, vector<16xf32>,
    %broadcast_in_dim3A_26 = arith.constant 1.000000e+00 : f32
    %broadcast_in_dim3A_27 = vector.broadcast %broadcast_in_dim3A_26 : f32 to vector<16xf32>
    %swap3A_28 = arith.constant 64 : index
    %swap3A_29 = tpu.vector_load %arg10[%swap3A_28] {strides = array<i32>} : memref<128xf32, #tpu.memory_space<vmem>>, vector<16xf32>,
    %swap3A_30 = vector.shape_cast %swap3A_29 : vector<16xf32> to vector<16xf32>
    %swap3A_31 = vector.shape_cast %broadcast_in_dim3A_27 : vector<16xf32> to vector<16xf32>
    tpu.vector_store %arg10[%swap3A_28], %swap3A_31 {strides = array<i32>} : memref<128xf32, #tpu.memory_space<vmem>>, vector<16xf32>,
    %broadcast_in_dim3A_32 = arith.constant 1.000000e+00 : f32
    %broadcast_in_dim3A_33 = vector.broadcast %broadcast_in_dim3A_32 : f32 to vector<16xf32>
    %swap3A_34 = arith.constant 80 : index
    %swap3A_35 = tpu.vector_load %arg10[%swap3A_34] {strides = array<i32>} : memref<128xf32, #tpu.memory_space<vmem>>, vector<16xf32>,
    %swap3A_36 = vector.shape_cast %swap3A_35 : vector<16xf32> to vector<16xf32>
    %swap3A_37 = vector.shape_cast %broadcast_in_dim3A_33 : vector<16xf32> to vector<16xf32>
    tpu.vector_store %arg10[%swap3A_34], %swap3A_37 {strides = array<i32>} : memref<128xf32, #tpu.memory_space<vmem>>, vector<16xf32>,
    %broadcast_in_dim3A_38 = arith.constant 1.000000e+00 : f32
    %broadcast_in_dim3A_39 = vector.broadcast %broadcast_in_dim3A_38 : f32 to vector<16xf32>
    %swap3A_40 = arith.constant 96 : index
    %swap3A_41 = tpu.vector_load %arg10[%swap3A_40] {strides = array<i32>} : memref<128xf32, #tpu.memory_space<vmem>>, vector<16xf32>,
    %swap3A_42 = vector.shape_cast %swap3A_41 : vector<16xf32> to vector<16xf32>
    %swap3A_43 = vector.shape_cast %broadcast_in_dim3A_39 : vector<16xf32> to vector<16xf32>
    tpu.vector_store %arg10[%swap3A_40], %swap3A_43 {strides = array<i32>} : memref<128xf32, #tpu.memory_space<vmem>>, vector<16xf32>,
    %broadcast_in_dim3A_44 = arith.constant 1.000000e+00 : f32
    %broadcast_in_dim3A_45 = vector.broadcast %broadcast_in_dim3A_44 : f32 to vector<16xf32>
    %swap3A_46 = arith.constant 112 : index
    %swap3A_47 = tpu.vector_load %arg10[%swap3A_46] {strides = array<i32>} : memref<128xf32, #tpu.memory_space<vmem>>, vector<16xf32>,
    %swap3A_48 = vector.shape_cast %swap3A_47 : vector<16xf32> to vector<16xf32>
    %swap3A_49 = vector.shape_cast %broadcast_in_dim3A_45 : vector<16xf32> to vector<16xf32>
    tpu.vector_store %arg10[%swap3A_46], %swap3A_49 {strides = array<i32>} : memref<128xf32, #tpu.memory_space<vmem>>, vector<16xf32>,
    %scan3A = arith.constant 0 : i32
    %scan3A_50 = arith.constant 0 : i32
    %scan3A_51 = arith.constant 40 : i32
    %scan3A_52 = arith.addi %scan3A_50, %scan3A_51 : i32
    %scan3A_53 = arith.constant 1 : i32
    scf.for %scan3A_134 = %scan3A_50 to %scan3A_52 step %scan3A_53  : i32 {
      %broadcast_in_dim3A_135 = arith.constant 0.000000e+00 : f32
      %broadcast_in_dim3A_136 = vector.broadcast %broadcast_in_dim3A_135 : f32 to vector<16xf32>
      %mul3A_137 = arith.constant 16 : i32
      %mul3A_138 = arith.muli %scan3A_134, %mul3A_137 : i32
      %swap3A_139 = arith.index_cast %mul3A_138 : i32 to index
      %swap3A_140 = tpu.vector_load %arg11[%swap3A_139] {strides = array<i32>} : memref<640xf32, #tpu.memory_space<vmem>>, vector<16xf32>,
      %swap3A_141 = vector.shape_cast %swap3A_140 : vector<16xf32> to vector<16xf32>
      %swap3A_142 = vector.shape_cast %broadcast_in_dim3A_136 : vector<16xf32> to vector<16xf32>
      tpu.vector_store %arg11[%swap3A_139], %swap3A_142 {strides = array<i32>} : memref<640xf32, #tpu.memory_space<vmem>>, vector<16xf32>,
    }
    %scan3A_54 = arith.constant 40 : i32
    %mul3A_55 = arith.constant 640 : i32
    %mul3A_56 = arith.muli %arg1, %mul3A_55 : i32
    "tpu.region"() ({
      %run_scoped3A = tpu.sem_alloc : memref<!tpu.dma_semaphore, #tpu.memory_space<semaphore_mem>>
      %dma_start3A_134 = tpu.memref_slice %arg17[%mul3A_56] : memref<10240xf32, #tpu.memory_space<vmem_shared>> -> memref<640xf32, #tpu.memory_space<vmem_shared>>
      %dma_start3A_135 = tpu.memref_slice %arg17[%mul3A_56] : memref<10240xf32, #tpu.memory_space<vmem_shared>> -> memref<640xf32, #tpu.memory_space<vmem_shared>>
      tpu.enqueue_dma source(%arg11 : memref<640xf32, #tpu.memory_space<vmem>>) target(%dma_start3A_135 : memref<640xf32, #tpu.memory_space<vmem_shared>>) target_semaphore(%run_scoped3A : memref<!tpu.dma_semaphore, #tpu.memory_space<semaphore_mem>>)
      %dma_wait3A_136 = tpu.memref_slice %arg17[%mul3A_56] : memref<10240xf32, #tpu.memory_space<vmem_shared>> -> memref<640xf32, #tpu.memory_space<vmem_shared>>
      %dma_wait3A_137 = tpu.memref_slice %arg17[%mul3A_56] : memref<10240xf32, #tpu.memory_space<vmem_shared>> -> memref<640xf32, #tpu.memory_space<vmem_shared>>
      tpu.wait_dma2 semaphore(%run_scoped3A : memref<!tpu.dma_semaphore, #tpu.memory_space<semaphore_mem>>) src(%arg11 : memref<640xf32, #tpu.memory_space<vmem>>) dst(%dma_wait3A_137 : memref<640xf32, #tpu.memory_space<vmem_shared>>)
      tpu.yield
    }) : () -> ()
    "tpu.region"() ({
      %run_scoped3A = tpu.sem_alloc : memref<!tpu.dma_semaphore, #tpu.memory_space<semaphore_mem>>
      %dma_start3A_134 = arith.constant 0 : i32
      %dma_start3A_135 = arith.constant 0 : i32
      %dma_start3A_136 = tpu.memref_slice %arg2[%add3A_3, %dma_start3A_134, %dma_start3A_135] : memref<32x160x128xi32, #tpu.memory_space<hbm>> -> memref<1x160x128xi32, #tpu.memory_space<hbm>>
      %dma_start3A_137 = tpu.memref_squeeze %dma_start3A_136 : memref<1x160x128xi32, #tpu.memory_space<hbm>> -> memref<160x128xi32, #tpu.memory_space<hbm>>
      %dma_start3A_138 = arith.constant 0 : i32
      %dma_start3A_139 = arith.constant 0 : i32
      %dma_start3A_140 = tpu.memref_slice %arg2[%add3A_3, %dma_start3A_138, %dma_start3A_139] : memref<32x160x128xi32, #tpu.memory_space<hbm>> -> memref<1x160x128xi32, #tpu.memory_space<hbm>>
      %dma_start3A_141 = tpu.memref_squeeze %dma_start3A_140 : memref<1x160x128xi32, #tpu.memory_space<hbm>> -> memref<160x128xi32, #tpu.memory_space<hbm>>
      tpu.enqueue_dma source(%dma_start3A_141 : memref<160x128xi32, #tpu.memory_space<hbm>>) target(%arg7 : memref<160x128xi32, #tpu.memory_space<vmem>>) target_semaphore(%run_scoped3A : memref<!tpu.dma_semaphore, #tpu.memory_space<semaphore_mem>>)
      %dma_wait3A_142 = arith.constant 0 : i32
      %dma_wait3A_143 = arith.constant 0 : i32
      %dma_wait3A_144 = tpu.memref_slice %arg2[%add3A_3, %dma_wait3A_142, %dma_wait3A_143] : memref<32x160x128xi32, #tpu.memory_space<hbm>> -> memref<1x160x128xi32, #tpu.memory_space<hbm>>
      %dma_wait3A_145 = tpu.memref_squeeze %dma_wait3A_144 : memref<1x160x128xi32, #tpu.memory_space<hbm>> -> memref<160x128xi32, #tpu.memory_space<hbm>>
      %dma_wait3A_146 = arith.constant 0 : i32
      %dma_wait3A_147 = arith.constant 0 : i32
      %dma_wait3A_148 = tpu.memref_slice %arg2[%add3A_3, %dma_wait3A_146, %dma_wait3A_147] : memref<32x160x128xi32, #tpu.memory_space<hbm>> -> memref<1x160x128xi32, #tpu.memory_space<hbm>>
      %dma_wait3A_149 = tpu.memref_squeeze %dma_wait3A_148 : memref<1x160x128xi32, #tpu.memory_space<hbm>> -> memref<160x128xi32, #tpu.memory_space<hbm>>
      tpu.wait_dma2 semaphore(%run_scoped3A : memref<!tpu.dma_semaphore, #tpu.memory_space<semaphore_mem>>) src(%dma_wait3A_149 : memref<160x128xi32, #tpu.memory_space<hbm>>) dst(%arg7 : memref<160x128xi32, #tpu.memory_space<vmem>>)
      tpu.yield
    }) : () -> ()
    "tpu.region"() ({
      %run_scoped3A = tpu.sem_alloc : memref<!tpu.dma_semaphore, #tpu.memory_space<semaphore_mem>>
      %dma_start3A_134 = arith.constant 0 : i32
      %dma_start3A_135 = arith.constant 0 : i32
      %dma_start3A_136 = tpu.memref_slice %arg3[%add3A, %dma_start3A_134, %dma_start3A_135] : memref<32x80x128xi32, #tpu.memory_space<hbm>> -> memref<1x80x128xi32, #tpu.memory_space<hbm>>
      %dma_start3A_137 = tpu.memref_squeeze %dma_start3A_136 : memref<1x80x128xi32, #tpu.memory_space<hbm>> -> memref<80x128xi32, #tpu.memory_space<hbm>>
      %dma_start3A_138 = arith.constant 0 : i32
      %dma_start3A_139 = arith.constant 0 : i32
      %dma_start3A_140 = tpu.memref_slice %arg3[%add3A, %dma_start3A_138, %dma_start3A_139] : memref<32x80x128xi32, #tpu.memory_space<hbm>> -> memref<1x80x128xi32, #tpu.memory_space<hbm>>
      %dma_start3A_141 = tpu.memref_squeeze %dma_start3A_140 : memref<1x80x128xi32, #tpu.memory_space<hbm>> -> memref<80x128xi32, #tpu.memory_space<hbm>>
      tpu.enqueue_dma source(%dma_start3A_141 : memref<80x128xi32, #tpu.memory_space<hbm>>) target(%arg8 : memref<80x128xi32, #tpu.memory_space<vmem>>) target_semaphore(%run_scoped3A : memref<!tpu.dma_semaphore, #tpu.memory_space<semaphore_mem>>)
      %dma_wait3A_142 = arith.constant 0 : i32
      %dma_wait3A_143 = arith.constant 0 : i32
      %dma_wait3A_144 = tpu.memref_slice %arg3[%add3A, %dma_wait3A_142, %dma_wait3A_143] : memref<32x80x128xi32, #tpu.memory_space<hbm>> -> memref<1x80x128xi32, #tpu.memory_space<hbm>>
      %dma_wait3A_145 = tpu.memref_squeeze %dma_wait3A_144 : memref<1x80x128xi32, #tpu.memory_space<hbm>> -> memref<80x128xi32, #tpu.memory_space<hbm>>
      %dma_wait3A_146 = arith.constant 0 : i32
      %dma_wait3A_147 = arith.constant 0 : i32
      %dma_wait3A_148 = tpu.memref_slice %arg3[%add3A, %dma_wait3A_146, %dma_wait3A_147] : memref<32x80x128xi32, #tpu.memory_space<hbm>> -> memref<1x80x128xi32, #tpu.memory_space<hbm>>
      %dma_wait3A_149 = tpu.memref_squeeze %dma_wait3A_148 : memref<1x80x128xi32, #tpu.memory_space<hbm>> -> memref<80x128xi32, #tpu.memory_space<hbm>>
      tpu.wait_dma2 semaphore(%run_scoped3A : memref<!tpu.dma_semaphore, #tpu.memory_space<semaphore_mem>>) src(%dma_wait3A_149 : memref<80x128xi32, #tpu.memory_space<hbm>>) dst(%arg8 : memref<80x128xi32, #tpu.memory_space<vmem>>)
      tpu.yield
    }) : () -> ()
    "tpu.region"() ({
      %run_scoped3A = tpu.sem_alloc : memref<!tpu.dma_semaphore, #tpu.memory_space<semaphore_mem>>
      %dma_start3A_134 = arith.constant 0 : i32
      %dma_start3A_135 = arith.constant 0 : i32
      %dma_start3A_136 = tpu.memref_slice %arg4[%add3A, %dma_start3A_134, %dma_start3A_135] : memref<32x80x128xi32, #tpu.memory_space<hbm>> -> memref<1x80x128xi32, #tpu.memory_space<hbm>>
      %dma_start3A_137 = tpu.memref_squeeze %dma_start3A_136 : memref<1x80x128xi32, #tpu.memory_space<hbm>> -> memref<80x128xi32, #tpu.memory_space<hbm>>
      %dma_start3A_138 = arith.constant 0 : i32
      %dma_start3A_139 = arith.constant 0 : i32
      %dma_start3A_140 = tpu.memref_slice %arg4[%add3A, %dma_start3A_138, %dma_start3A_139] : memref<32x80x128xi32, #tpu.memory_space<hbm>> -> memref<1x80x128xi32, #tpu.memory_space<hbm>>
      %dma_start3A_141 = tpu.memref_squeeze %dma_start3A_140 : memref<1x80x128xi32, #tpu.memory_space<hbm>> -> memref<80x128xi32, #tpu.memory_space<hbm>>
      tpu.enqueue_dma source(%dma_start3A_141 : memref<80x128xi32, #tpu.memory_space<hbm>>) target(%arg9 : memref<80x128xi32, #tpu.memory_space<vmem>>) target_semaphore(%run_scoped3A : memref<!tpu.dma_semaphore, #tpu.memory_space<semaphore_mem>>)
      %dma_wait3A_142 = arith.constant 0 : i32
      %dma_wait3A_143 = arith.constant 0 : i32
      %dma_wait3A_144 = tpu.memref_slice %arg4[%add3A, %dma_wait3A_142, %dma_wait3A_143] : memref<32x80x128xi32, #tpu.memory_space<hbm>> -> memref<1x80x128xi32, #tpu.memory_space<hbm>>
      %dma_wait3A_145 = tpu.memref_squeeze %dma_wait3A_144 : memref<1x80x128xi32, #tpu.memory_space<hbm>> -> memref<80x128xi32, #tpu.memory_space<hbm>>
      %dma_wait3A_146 = arith.constant 0 : i32
      %dma_wait3A_147 = arith.constant 0 : i32
      %dma_wait3A_148 = tpu.memref_slice %arg4[%add3A, %dma_wait3A_146, %dma_wait3A_147] : memref<32x80x128xi32, #tpu.memory_space<hbm>> -> memref<1x80x128xi32, #tpu.memory_space<hbm>>
      %dma_wait3A_149 = tpu.memref_squeeze %dma_wait3A_148 : memref<1x80x128xi32, #tpu.memory_space<hbm>> -> memref<80x128xi32, #tpu.memory_space<hbm>>
      tpu.wait_dma2 semaphore(%run_scoped3A : memref<!tpu.dma_semaphore, #tpu.memory_space<semaphore_mem>>) src(%dma_wait3A_149 : memref<80x128xi32, #tpu.memory_space<hbm>>) dst(%arg9 : memref<80x128xi32, #tpu.memory_space<vmem>>)
      tpu.yield
    }) : () -> ()
    %barrier3A = arith.constant 0 : index
    tpu.barrier barrier_id(%barrier3A)
    %scan3A_57 = arith.constant 0 : i32
    %scan3A_58 = arith.constant 0 : i32
    %scan3A_59 = arith.constant 160 : i32
    %scan3A_60 = arith.addi %scan3A_58, %scan3A_59 : i32
    %scan3A_61 = arith.constant 1 : i32
    scf.for %scan3A_134 = %scan3A_58 to %scan3A_60 step %scan3A_61  : i32 {
      "tpu.region"() ({
        %run_scoped3A = tpu.sem_alloc : memref<!tpu.dma_semaphore, #tpu.memory_space<semaphore_mem>>
        %dma_start3A_135 = arith.constant 0 : i32
        %dma_start3A_136 = tpu.memref_slice %arg7[%scan3A_134, %dma_start3A_135] : memref<160x128xi32, #tpu.memory_space<vmem>> -> memref<1x128xi32, #tpu.memory_space<vmem>>
        %dma_start3A_137 = tpu.memref_squeeze %dma_start3A_136 : memref<1x128xi32, #tpu.memory_space<vmem>> -> memref<128xi32, #tpu.memory_space<vmem>>
        %dma_start3A_138 = arith.constant 0 : i32
        %dma_start3A_139 = tpu.memref_slice %arg17[%dma_start3A_138] : memref<10240xf32, #tpu.memory_space<vmem_shared>> -> memref<10240xf32, #tpu.memory_space<vmem_shared>>
        tpu.enqueue_indirect_dma source(%arg10 : memref<128xf32, #tpu.memory_space<vmem>>) target(%dma_start3A_139 : memref<10240xf32, #tpu.memory_space<vmem_shared>>) offsets(%dma_start3A_137 : memref<128xi32, #tpu.memory_space<vmem>>) semaphore(%run_scoped3A : memref<!tpu.dma_semaphore, #tpu.memory_space<semaphore_mem>>) {add = true}
        %dma_wait3A_140 = arith.constant 0 : i32
        %dma_wait3A_141 = tpu.memref_slice %arg7[%scan3A_134, %dma_wait3A_140] : memref<160x128xi32, #tpu.memory_space<vmem>> -> memref<1x128xi32, #tpu.memory_space<vmem>>
        %dma_wait3A_142 = tpu.memref_squeeze %dma_wait3A_141 : memref<1x128xi32, #tpu.memory_space<vmem>> -> memref<128xi32, #tpu.memory_space<vmem>>
        %dma_wait3A_143 = arith.constant 0 : i32
        %dma_wait3A_144 = tpu.memref_slice %arg17[%dma_wait3A_143] : memref<10240xf32, #tpu.memory_space<vmem_shared>> -> memref<10240xf32, #tpu.memory_space<vmem_shared>>
        tpu.wait_indirect_dma semaphore(%run_scoped3A : memref<!tpu.dma_semaphore, #tpu.memory_space<semaphore_mem>>) src(%arg10 : memref<128xf32, #tpu.memory_space<vmem>>) dst(%dma_wait3A_144 : memref<10240xf32, #tpu.memory_space<vmem_shared>>)
        tpu.yield
      }) : () -> ()
    }
    %scan3A_62 = arith.constant 160 : i32
    %barrier3A_63 = arith.constant 0 : index
    tpu.barrier barrier_id(%barrier3A_63)
    %mul3A_64 = arith.constant 640 : i32
    %mul3A_65 = arith.muli %arg1, %mul3A_64 : i32
    "tpu.region"() ({
      %run_scoped3A = tpu.sem_alloc : memref<!tpu.dma_semaphore, #tpu.memory_space<semaphore_mem>>
      %dma_start3A_134 = tpu.memref_slice %arg17[%mul3A_65] : memref<10240xf32, #tpu.memory_space<vmem_shared>> -> memref<640xf32, #tpu.memory_space<vmem_shared>>
      %dma_start3A_135 = tpu.memref_slice %arg17[%mul3A_65] : memref<10240xf32, #tpu.memory_space<vmem_shared>> -> memref<640xf32, #tpu.memory_space<vmem_shared>>
      tpu.enqueue_dma source(%dma_start3A_135 : memref<640xf32, #tpu.memory_space<vmem_shared>>) target(%arg12 : memref<640xf32, #tpu.memory_space<vmem>>) target_semaphore(%run_scoped3A : memref<!tpu.dma_semaphore, #tpu.memory_space<semaphore_mem>>)
      %dma_wait3A_136 = tpu.memref_slice %arg17[%mul3A_65] : memref<10240xf32, #tpu.memory_space<vmem_shared>> -> memref<640xf32, #tpu.memory_space<vmem_shared>>
      %dma_wait3A_137 = tpu.memref_slice %arg17[%mul3A_65] : memref<10240xf32, #tpu.memory_space<vmem_shared>> -> memref<640xf32, #tpu.memory_space<vmem_shared>>
      tpu.wait_dma2 semaphore(%run_scoped3A : memref<!tpu.dma_semaphore, #tpu.memory_space<semaphore_mem>>) src(%dma_wait3A_137 : memref<640xf32, #tpu.memory_space<vmem_shared>>) dst(%arg12 : memref<640xf32, #tpu.memory_space<vmem>>)
      tpu.yield
    }) : () -> ()
    %scan3A_66 = arith.constant 0 : i32
    %scan3A_67 = arith.constant 0 : i32
    %scan3A_68 = arith.constant 40 : i32
    %scan3A_69 = arith.addi %scan3A_67, %scan3A_68 : i32
    %scan3A_70 = arith.constant 1 : i32
    scf.for %scan3A_134 = %scan3A_67 to %scan3A_69 step %scan3A_70  : i32 {
      %mul3A_135 = arith.constant 16 : i32
      %mul3A_136 = arith.muli %scan3A_134, %mul3A_135 : i32
      %get3A = arith.index_cast %mul3A_136 : i32 to index
      %get3A_137 = tpu.vector_load %arg12[%get3A] {strides = array<i32>} : memref<640xf32, #tpu.memory_space<vmem>>, vector<16xf32>,
      %get3A_138 = vector.shape_cast %get3A_137 : vector<16xf32> to vector<16xf32>
      %add3A_139 = arith.constant 1.000000e+00 : f32
      %add3A_140 = vector.broadcast %add3A_139 : f32 to vector<16xf32>
      %add3A_141 = arith.addf %get3A_138, %add3A_140 : vector<16xf32>
      %bitcast_convert_type3A = tpu.bitcast %add3A_141 : vector<16xf32> -> vector<16xi32>
      %shift_right_logical3A = arith.constant 1 : i32
      %shift_right_logical3A_142 = vector.broadcast %shift_right_logical3A : i32 to vector<16xi32>
      %shift_right_logical3A_143 = arith.shrui %bitcast_convert_type3A, %shift_right_logical3A_142 : vector<16xi32>
      %sub3A = arith.constant 1597463007 : i32
      %sub3A_144 = vector.broadcast %sub3A : i32 to vector<16xi32>
      %sub3A_145 = arith.subi %sub3A_144, %shift_right_logical3A_143 : vector<16xi32>
      %bitcast_convert_type3A_146 = tpu.bitcast %sub3A_145 : vector<16xi32> -> vector<16xf32>
      %mul3A_147 = arith.constant 5.000000e-01 : f32
      %mul3A_148 = vector.broadcast %mul3A_147 : f32 to vector<16xf32>
      %mul3A_149 = arith.mulf %mul3A_148, %add3A_141 : vector<16xf32>
      %mul3A_150 = arith.mulf %mul3A_149, %bitcast_convert_type3A_146 : vector<16xf32>
      %mul3A_151 = arith.mulf %mul3A_150, %bitcast_convert_type3A_146 : vector<16xf32>
      %sub3A_152 = arith.constant 1.500000e+00 : f32
      %sub3A_153 = vector.broadcast %sub3A_152 : f32 to vector<16xf32>
      %sub3A_154 = arith.subf %sub3A_153, %mul3A_151 : vector<16xf32>
      %mul3A_155 = arith.mulf %bitcast_convert_type3A_146, %sub3A_154 : vector<16xf32>
      %mul3A_156 = arith.constant 5.000000e-01 : f32
      %mul3A_157 = vector.broadcast %mul3A_156 : f32 to vector<16xf32>
      %mul3A_158 = arith.mulf %mul3A_157, %add3A_141 : vector<16xf32>
      %mul3A_159 = arith.mulf %mul3A_158, %mul3A_155 : vector<16xf32>
      %mul3A_160 = arith.mulf %mul3A_159, %mul3A_155 : vector<16xf32>
      %sub3A_161 = arith.constant 1.500000e+00 : f32
      %sub3A_162 = vector.broadcast %sub3A_161 : f32 to vector<16xf32>
      %sub3A_163 = arith.subf %sub3A_162, %mul3A_160 : vector<16xf32>
      %mul3A_164 = arith.mulf %mul3A_155, %sub3A_163 : vector<16xf32>
      %mul3A_165 = arith.constant 16 : i32
      %mul3A_166 = arith.muli %scan3A_134, %mul3A_165 : i32
      %swap3A_167 = arith.index_cast %mul3A_166 : i32 to index
      %swap3A_168 = tpu.vector_load %arg12[%swap3A_167] {strides = array<i32>} : memref<640xf32, #tpu.memory_space<vmem>>, vector<16xf32>,
      %swap3A_169 = vector.shape_cast %swap3A_168 : vector<16xf32> to vector<16xf32>
      %swap3A_170 = vector.shape_cast %mul3A_164 : vector<16xf32> to vector<16xf32>
      tpu.vector_store %arg12[%swap3A_167], %swap3A_170 {strides = array<i32>} : memref<640xf32, #tpu.memory_space<vmem>>, vector<16xf32>,
    }
    %scan3A_71 = arith.constant 40 : i32
    %mul3A_72 = arith.constant 10240 : i32
    %mul3A_73 = arith.muli %arg0, %mul3A_72 : i32
    %mul3A_74 = arith.constant 640 : i32
    %mul3A_75 = arith.muli %arg1, %mul3A_74 : i32
    %add3A_76 = arith.addi %mul3A_73, %mul3A_75 : i32
    "tpu.region"() ({
      %run_scoped3A = tpu.sem_alloc : memref<!tpu.dma_semaphore, #tpu.memory_space<semaphore_mem>>
      %dma_start3A_134 = tpu.memref_slice %arg5[%add3A_76] : memref<20480xf32, #tpu.memory_space<hbm>> -> memref<640xf32, #tpu.memory_space<hbm>>
      %dma_start3A_135 = tpu.memref_slice %arg5[%add3A_76] : memref<20480xf32, #tpu.memory_space<hbm>> -> memref<640xf32, #tpu.memory_space<hbm>>
      tpu.enqueue_dma source(%arg12 : memref<640xf32, #tpu.memory_space<vmem>>) target(%dma_start3A_135 : memref<640xf32, #tpu.memory_space<hbm>>) target_semaphore(%run_scoped3A : memref<!tpu.dma_semaphore, #tpu.memory_space<semaphore_mem>>)
      %dma_wait3A_136 = tpu.memref_slice %arg5[%add3A_76] : memref<20480xf32, #tpu.memory_space<hbm>> -> memref<640xf32, #tpu.memory_space<hbm>>
      %dma_wait3A_137 = tpu.memref_slice %arg5[%add3A_76] : memref<20480xf32, #tpu.memory_space<hbm>> -> memref<640xf32, #tpu.memory_space<hbm>>
      tpu.wait_dma2 semaphore(%run_scoped3A : memref<!tpu.dma_semaphore, #tpu.memory_space<semaphore_mem>>) src(%arg12 : memref<640xf32, #tpu.memory_space<vmem>>) dst(%dma_wait3A_137 : memref<640xf32, #tpu.memory_space<hbm>>)
      tpu.yield
    }) : () -> ()
    %mul3A_77 = arith.constant 640 : i32
    %mul3A_78 = arith.muli %arg1, %mul3A_77 : i32
    "tpu.region"() ({
      %run_scoped3A = tpu.sem_alloc : memref<!tpu.dma_semaphore, #tpu.memory_space<semaphore_mem>>
      %dma_start3A_134 = tpu.memref_slice %arg18[%mul3A_78] : memref<10240xf32, #tpu.memory_space<vmem_shared>> -> memref<640xf32, #tpu.memory_space<vmem_shared>>
      %dma_start3A_135 = tpu.memref_slice %arg18[%mul3A_78] : memref<10240xf32, #tpu.memory_space<vmem_shared>> -> memref<640xf32, #tpu.memory_space<vmem_shared>>
      tpu.enqueue_dma source(%arg12 : memref<640xf32, #tpu.memory_space<vmem>>) target(%dma_start3A_135 : memref<640xf32, #tpu.memory_space<vmem_shared>>) target_semaphore(%run_scoped3A : memref<!tpu.dma_semaphore, #tpu.memory_space<semaphore_mem>>)
      %dma_wait3A_136 = tpu.memref_slice %arg18[%mul3A_78] : memref<10240xf32, #tpu.memory_space<vmem_shared>> -> memref<640xf32, #tpu.memory_space<vmem_shared>>
      %dma_wait3A_137 = tpu.memref_slice %arg18[%mul3A_78] : memref<10240xf32, #tpu.memory_space<vmem_shared>> -> memref<640xf32, #tpu.memory_space<vmem_shared>>
      tpu.wait_dma2 semaphore(%run_scoped3A : memref<!tpu.dma_semaphore, #tpu.memory_space<semaphore_mem>>) src(%arg12 : memref<640xf32, #tpu.memory_space<vmem>>) dst(%dma_wait3A_137 : memref<640xf32, #tpu.memory_space<vmem_shared>>)
      tpu.yield
    }) : () -> ()
    %mul3A_79 = arith.constant 640 : i32
    %mul3A_80 = arith.muli %arg1, %mul3A_79 : i32
    "tpu.region"() ({
      %run_scoped3A = tpu.sem_alloc : memref<!tpu.dma_semaphore, #tpu.memory_space<semaphore_mem>>
      %dma_start3A_134 = tpu.memref_slice %arg17[%mul3A_80] : memref<10240xf32, #tpu.memory_space<vmem_shared>> -> memref<640xf32, #tpu.memory_space<vmem_shared>>
      %dma_start3A_135 = tpu.memref_slice %arg17[%mul3A_80] : memref<10240xf32, #tpu.memory_space<vmem_shared>> -> memref<640xf32, #tpu.memory_space<vmem_shared>>
      tpu.enqueue_dma source(%arg11 : memref<640xf32, #tpu.memory_space<vmem>>) target(%dma_start3A_135 : memref<640xf32, #tpu.memory_space<vmem_shared>>) target_semaphore(%run_scoped3A : memref<!tpu.dma_semaphore, #tpu.memory_space<semaphore_mem>>)
      %dma_wait3A_136 = tpu.memref_slice %arg17[%mul3A_80] : memref<10240xf32, #tpu.memory_space<vmem_shared>> -> memref<640xf32, #tpu.memory_space<vmem_shared>>
      %dma_wait3A_137 = tpu.memref_slice %arg17[%mul3A_80] : memref<10240xf32, #tpu.memory_space<vmem_shared>> -> memref<640xf32, #tpu.memory_space<vmem_shared>>
      tpu.wait_dma2 semaphore(%run_scoped3A : memref<!tpu.dma_semaphore, #tpu.memory_space<semaphore_mem>>) src(%arg11 : memref<640xf32, #tpu.memory_space<vmem>>) dst(%dma_wait3A_137 : memref<640xf32, #tpu.memory_space<vmem_shared>>)
      tpu.yield
    }) : () -> ()
    %barrier3A_81 = arith.constant 0 : index
    tpu.barrier barrier_id(%barrier3A_81)
    %dma_start3A = arith.constant 0 : i32
    %dma_start3A_82 = arith.constant 0 : i32
    %dma_start3A_83 = tpu.memref_slice %arg8[%dma_start3A, %dma_start3A_82] : memref<80x128xi32, #tpu.memory_space<vmem>> -> memref<1x128xi32, #tpu.memory_space<vmem>>
    %dma_start3A_84 = tpu.memref_squeeze %dma_start3A_83 : memref<1x128xi32, #tpu.memory_space<vmem>> -> memref<128xi32, #tpu.memory_space<vmem>>
    %dma_start3A_85 = arith.constant 0 : i32
    %dma_start3A_86 = tpu.memref_slice %arg18[%dma_start3A_85] : memref<10240xf32, #tpu.memory_space<vmem_shared>> -> memref<10240xf32, #tpu.memory_space<vmem_shared>>
    tpu.enqueue_indirect_dma source(%dma_start3A_86 : memref<10240xf32, #tpu.memory_space<vmem_shared>>) target(%arg13 : memref<128xf32, #tpu.memory_space<vmem>>) offsets(%dma_start3A_84 : memref<128xi32, #tpu.memory_space<vmem>>) semaphore(%arg19 : memref<!tpu.dma_semaphore, #tpu.memory_space<semaphore_mem>>)
    %dma_start3A_87 = arith.constant 1 : i32
    %dma_start3A_88 = arith.constant 0 : i32
    %dma_start3A_89 = tpu.memref_slice %arg8[%dma_start3A_87, %dma_start3A_88] : memref<80x128xi32, #tpu.memory_space<vmem>> -> memref<1x128xi32, #tpu.memory_space<vmem>>
    %dma_start3A_90 = tpu.memref_squeeze %dma_start3A_89 : memref<1x128xi32, #tpu.memory_space<vmem>> -> memref<128xi32, #tpu.memory_space<vmem>>
    %dma_start3A_91 = arith.constant 0 : i32
    %dma_start3A_92 = tpu.memref_slice %arg18[%dma_start3A_91] : memref<10240xf32, #tpu.memory_space<vmem_shared>> -> memref<10240xf32, #tpu.memory_space<vmem_shared>>
    tpu.enqueue_indirect_dma source(%dma_start3A_92 : memref<10240xf32, #tpu.memory_space<vmem_shared>>) target(%arg14 : memref<128xf32, #tpu.memory_space<vmem>>) offsets(%dma_start3A_90 : memref<128xi32, #tpu.memory_space<vmem>>) semaphore(%arg20 : memref<!tpu.dma_semaphore, #tpu.memory_space<semaphore_mem>>)
    %dma_start3A_93 = arith.constant 2 : i32
    %dma_start3A_94 = arith.constant 0 : i32
    %dma_start3A_95 = tpu.memref_slice %arg8[%dma_start3A_93, %dma_start3A_94] : memref<80x128xi32, #tpu.memory_space<vmem>> -> memref<1x128xi32, #tpu.memory_space<vmem>>
    %dma_start3A_96 = tpu.memref_squeeze %dma_start3A_95 : memref<1x128xi32, #tpu.memory_space<vmem>> -> memref<128xi32, #tpu.memory_space<vmem>>
    %dma_start3A_97 = arith.constant 0 : i32
    %dma_start3A_98 = tpu.memref_slice %arg18[%dma_start3A_97] : memref<10240xf32, #tpu.memory_space<vmem_shared>> -> memref<10240xf32, #tpu.memory_space<vmem_shared>>
    tpu.enqueue_indirect_dma source(%dma_start3A_98 : memref<10240xf32, #tpu.memory_space<vmem_shared>>) target(%arg15 : memref<128xf32, #tpu.memory_space<vmem>>) offsets(%dma_start3A_96 : memref<128xi32, #tpu.memory_space<vmem>>) semaphore(%arg21 : memref<!tpu.dma_semaphore, #tpu.memory_space<semaphore_mem>>)
    %dma_start3A_99 = arith.constant 3 : i32
    %dma_start3A_100 = arith.constant 0 : i32
    %dma_start3A_101 = tpu.memref_slice %arg8[%dma_start3A_99, %dma_start3A_100] : memref<80x128xi32, #tpu.memory_space<vmem>> -> memref<1x128xi32, #tpu.memory_space<vmem>>
    %dma_start3A_102 = tpu.memref_squeeze %dma_start3A_101 : memref<1x128xi32, #tpu.memory_space<vmem>> -> memref<128xi32, #tpu.memory_space<vmem>>
    %dma_start3A_103 = arith.constant 0 : i32
    %dma_start3A_104 = tpu.memref_slice %arg18[%dma_start3A_103] : memref<10240xf32, #tpu.memory_space<vmem_shared>> -> memref<10240xf32, #tpu.memory_space<vmem_shared>>
    tpu.enqueue_indirect_dma source(%dma_start3A_104 : memref<10240xf32, #tpu.memory_space<vmem_shared>>) target(%arg16 : memref<128xf32, #tpu.memory_space<vmem>>) offsets(%dma_start3A_102 : memref<128xi32, #tpu.memory_space<vmem>>) semaphore(%arg22 : memref<!tpu.dma_semaphore, #tpu.memory_space<semaphore_mem>>)
    %scan3A_105 = arith.constant 0 : i32
    %scan3A_106 = arith.constant 0 : i32
    %scan3A_107 = arith.constant 20 : i32
    %scan3A_108 = arith.addi %scan3A_106, %scan3A_107 : i32
    %scan3A_109 = arith.constant 1 : i32
    scf.for %scan3A_134 = %scan3A_106 to %scan3A_108 step %scan3A_109  : i32 {
      %mul3A_135 = arith.constant 4 : i32
      %mul3A_136 = arith.muli %scan3A_134, %mul3A_135 : i32
      %add3A_137 = arith.constant 0 : i32
      %add3A_138 = arith.addi %mul3A_136, %add3A_137 : i32
      %dma_wait3A_139 = arith.constant 0 : i32
      %dma_wait3A_140 = tpu.memref_slice %arg18[%dma_wait3A_139] : memref<10240xf32, #tpu.memory_space<vmem_shared>> -> memref<128xf32, #tpu.memory_space<vmem_shared>>
      %dma_wait3A_141 = arith.constant 0 : i32
      %dma_wait3A_142 = tpu.memref_slice %arg18[%dma_wait3A_141] : memref<10240xf32, #tpu.memory_space<vmem_shared>> -> memref<128xf32, #tpu.memory_space<vmem_shared>>
      tpu.wait_dma2 semaphore(%arg19 : memref<!tpu.dma_semaphore, #tpu.memory_space<semaphore_mem>>) src(%dma_wait3A_142 : memref<128xf32, #tpu.memory_space<vmem_shared>>) dst(%arg13 : memref<128xf32, #tpu.memory_space<vmem>>)
      "tpu.region"() ({
        %run_scoped3A = tpu.sem_alloc : memref<!tpu.dma_semaphore, #tpu.memory_space<semaphore_mem>>
        %dma_start3A_202 = arith.constant 0 : i32
        %dma_start3A_203 = tpu.memref_slice %arg9[%add3A_138, %dma_start3A_202] : memref<80x128xi32, #tpu.memory_space<vmem>> -> memref<1x128xi32, #tpu.memory_space<vmem>>
        %dma_start3A_204 = tpu.memref_squeeze %dma_start3A_203 : memref<1x128xi32, #tpu.memory_space<vmem>> -> memref<128xi32, #tpu.memory_space<vmem>>
        %dma_start3A_205 = arith.constant 0 : i32
        %dma_start3A_206 = tpu.memref_slice %arg17[%dma_start3A_205] : memref<10240xf32, #tpu.memory_space<vmem_shared>> -> memref<10240xf32, #tpu.memory_space<vmem_shared>>
        tpu.enqueue_indirect_dma source(%arg13 : memref<128xf32, #tpu.memory_space<vmem>>) target(%dma_start3A_206 : memref<10240xf32, #tpu.memory_space<vmem_shared>>) offsets(%dma_start3A_204 : memref<128xi32, #tpu.memory_space<vmem>>) semaphore(%run_scoped3A : memref<!tpu.dma_semaphore, #tpu.memory_space<semaphore_mem>>) {add = true}
        %dma_wait3A_207 = arith.constant 0 : i32
        %dma_wait3A_208 = tpu.memref_slice %arg9[%add3A_138, %dma_wait3A_207] : memref<80x128xi32, #tpu.memory_space<vmem>> -> memref<1x128xi32, #tpu.memory_space<vmem>>
        %dma_wait3A_209 = tpu.memref_squeeze %dma_wait3A_208 : memref<1x128xi32, #tpu.memory_space<vmem>> -> memref<128xi32, #tpu.memory_space<vmem>>
        %dma_wait3A_210 = arith.constant 0 : i32
        %dma_wait3A_211 = tpu.memref_slice %arg17[%dma_wait3A_210] : memref<10240xf32, #tpu.memory_space<vmem_shared>> -> memref<10240xf32, #tpu.memory_space<vmem_shared>>
        tpu.wait_indirect_dma semaphore(%run_scoped3A : memref<!tpu.dma_semaphore, #tpu.memory_space<semaphore_mem>>) src(%arg13 : memref<128xf32, #tpu.memory_space<vmem>>) dst(%dma_wait3A_211 : memref<10240xf32, #tpu.memory_space<vmem_shared>>)
        tpu.yield
      }) : () -> ()
      %add3A_143 = arith.constant 4 : i32
      %add3A_144 = arith.addi %add3A_138, %add3A_143 : i32
      %min3A = arith.constant 79 : i32
      %min3A_145 = arith.minsi %add3A_144, %min3A : i32
      %dma_start3A_146 = arith.constant 0 : i32
      %dma_start3A_147 = tpu.memref_slice %arg8[%min3A_145, %dma_start3A_146] : memref<80x128xi32, #tpu.memory_space<vmem>> -> memref<1x128xi32, #tpu.memory_space<vmem>>
      %dma_start3A_148 = tpu.memref_squeeze %dma_start3A_147 : memref<1x128xi32, #tpu.memory_space<vmem>> -> memref<128xi32, #tpu.memory_space<vmem>>
      %dma_start3A_149 = arith.constant 0 : i32
      %dma_start3A_150 = tpu.memref_slice %arg18[%dma_start3A_149] : memref<10240xf32, #tpu.memory_space<vmem_shared>> -> memref<10240xf32, #tpu.memory_space<vmem_shared>>
      tpu.enqueue_indirect_dma source(%dma_start3A_150 : memref<10240xf32, #tpu.memory_space<vmem_shared>>) target(%arg13 : memref<128xf32, #tpu.memory_space<vmem>>) offsets(%dma_start3A_148 : memref<128xi32, #tpu.memory_space<vmem>>) semaphore(%arg19 : memref<!tpu.dma_semaphore, #tpu.memory_space<semaphore_mem>>)
      %mul3A_151 = arith.constant 4 : i32
      %mul3A_152 = arith.muli %scan3A_134, %mul3A_151 : i32
      %add3A_153 = arith.constant 1 : i32
      %add3A_154 = arith.addi %mul3A_152, %add3A_153 : i32
      %dma_wait3A_155 = arith.constant 0 : i32
      %dma_wait3A_156 = tpu.memref_slice %arg18[%dma_wait3A_155] : memref<10240xf32, #tpu.memory_space<vmem_shared>> -> memref<128xf32, #tpu.memory_space<vmem_shared>>
      %dma_wait3A_157 = arith.constant 0 : i32
      %dma_wait3A_158 = tpu.memref_slice %arg18[%dma_wait3A_157] : memref<10240xf32, #tpu.memory_space<vmem_shared>> -> memref<128xf32, #tpu.memory_space<vmem_shared>>
      tpu.wait_dma2 semaphore(%arg20 : memref<!tpu.dma_semaphore, #tpu.memory_space<semaphore_mem>>) src(%dma_wait3A_158 : memref<128xf32, #tpu.memory_space<vmem_shared>>) dst(%arg14 : memref<128xf32, #tpu.memory_space<vmem>>)
      "tpu.region"() ({
        %run_scoped3A = tpu.sem_alloc : memref<!tpu.dma_semaphore, #tpu.memory_space<semaphore_mem>>
        %dma_start3A_202 = arith.constant 0 : i32
        %dma_start3A_203 = tpu.memref_slice %arg9[%add3A_154, %dma_start3A_202] : memref<80x128xi32, #tpu.memory_space<vmem>> -> memref<1x128xi32, #tpu.memory_space<vmem>>
        %dma_start3A_204 = tpu.memref_squeeze %dma_start3A_203 : memref<1x128xi32, #tpu.memory_space<vmem>> -> memref<128xi32, #tpu.memory_space<vmem>>
        %dma_start3A_205 = arith.constant 0 : i32
        %dma_start3A_206 = tpu.memref_slice %arg17[%dma_start3A_205] : memref<10240xf32, #tpu.memory_space<vmem_shared>> -> memref<10240xf32, #tpu.memory_space<vmem_shared>>
        tpu.enqueue_indirect_dma source(%arg14 : memref<128xf32, #tpu.memory_space<vmem>>) target(%dma_start3A_206 : memref<10240xf32, #tpu.memory_space<vmem_shared>>) offsets(%dma_start3A_204 : memref<128xi32, #tpu.memory_space<vmem>>) semaphore(%run_scoped3A : memref<!tpu.dma_semaphore, #tpu.memory_space<semaphore_mem>>) {add = true}
        %dma_wait3A_207 = arith.constant 0 : i32
        %dma_wait3A_208 = tpu.memref_slice %arg9[%add3A_154, %dma_wait3A_207] : memref<80x128xi32, #tpu.memory_space<vmem>> -> memref<1x128xi32, #tpu.memory_space<vmem>>
        %dma_wait3A_209 = tpu.memref_squeeze %dma_wait3A_208 : memref<1x128xi32, #tpu.memory_space<vmem>> -> memref<128xi32, #tpu.memory_space<vmem>>
        %dma_wait3A_210 = arith.constant 0 : i32
        %dma_wait3A_211 = tpu.memref_slice %arg17[%dma_wait3A_210] : memref<10240xf32, #tpu.memory_space<vmem_shared>> -> memref<10240xf32, #tpu.memory_space<vmem_shared>>
        tpu.wait_indirect_dma semaphore(%run_scoped3A : memref<!tpu.dma_semaphore, #tpu.memory_space<semaphore_mem>>) src(%arg14 : memref<128xf32, #tpu.memory_space<vmem>>) dst(%dma_wait3A_211 : memref<10240xf32, #tpu.memory_space<vmem_shared>>)
        tpu.yield
      }) : () -> ()
      %add3A_159 = arith.constant 4 : i32
      %add3A_160 = arith.addi %add3A_154, %add3A_159 : i32
      %min3A_161 = arith.constant 79 : i32
      %min3A_162 = arith.minsi %add3A_160, %min3A_161 : i32
      %dma_start3A_163 = arith.constant 0 : i32
      %dma_start3A_164 = tpu.memref_slice %arg8[%min3A_162, %dma_start3A_163] : memref<80x128xi32, #tpu.memory_space<vmem>> -> memref<1x128xi32, #tpu.memory_space<vmem>>
      %dma_start3A_165 = tpu.memref_squeeze %dma_start3A_164 : memref<1x128xi32, #tpu.memory_space<vmem>> -> memref<128xi32, #tpu.memory_space<vmem>>
      %dma_start3A_166 = arith.constant 0 : i32
      %dma_start3A_167 = tpu.memref_slice %arg18[%dma_start3A_166] : memref<10240xf32, #tpu.memory_space<vmem_shared>> -> memref<10240xf32, #tpu.memory_space<vmem_shared>>
      tpu.enqueue_indirect_dma source(%dma_start3A_167 : memref<10240xf32, #tpu.memory_space<vmem_shared>>) target(%arg14 : memref<128xf32, #tpu.memory_space<vmem>>) offsets(%dma_start3A_165 : memref<128xi32, #tpu.memory_space<vmem>>) semaphore(%arg20 : memref<!tpu.dma_semaphore, #tpu.memory_space<semaphore_mem>>)
      %mul3A_168 = arith.constant 4 : i32
      %mul3A_169 = arith.muli %scan3A_134, %mul3A_168 : i32
      %add3A_170 = arith.constant 2 : i32
      %add3A_171 = arith.addi %mul3A_169, %add3A_170 : i32
      %dma_wait3A_172 = arith.constant 0 : i32
      %dma_wait3A_173 = tpu.memref_slice %arg18[%dma_wait3A_172] : memref<10240xf32, #tpu.memory_space<vmem_shared>> -> memref<128xf32, #tpu.memory_space<vmem_shared>>
      %dma_wait3A_174 = arith.constant 0 : i32
      %dma_wait3A_175 = tpu.memref_slice %arg18[%dma_wait3A_174] : memref<10240xf32, #tpu.memory_space<vmem_shared>> -> memref<128xf32, #tpu.memory_space<vmem_shared>>
      tpu.wait_dma2 semaphore(%arg21 : memref<!tpu.dma_semaphore, #tpu.memory_space<semaphore_mem>>) src(%dma_wait3A_175 : memref<128xf32, #tpu.memory_space<vmem_shared>>) dst(%arg15 : memref<128xf32, #tpu.memory_space<vmem>>)
      "tpu.region"() ({
        %run_scoped3A = tpu.sem_alloc : memref<!tpu.dma_semaphore, #tpu.memory_space<semaphore_mem>>
        %dma_start3A_202 = arith.constant 0 : i32
        %dma_start3A_203 = tpu.memref_slice %arg9[%add3A_171, %dma_start3A_202] : memref<80x128xi32, #tpu.memory_space<vmem>> -> memref<1x128xi32, #tpu.memory_space<vmem>>
        %dma_start3A_204 = tpu.memref_squeeze %dma_start3A_203 : memref<1x128xi32, #tpu.memory_space<vmem>> -> memref<128xi32, #tpu.memory_space<vmem>>
        %dma_start3A_205 = arith.constant 0 : i32
        %dma_start3A_206 = tpu.memref_slice %arg17[%dma_start3A_205] : memref<10240xf32, #tpu.memory_space<vmem_shared>> -> memref<10240xf32, #tpu.memory_space<vmem_shared>>
        tpu.enqueue_indirect_dma source(%arg15 : memref<128xf32, #tpu.memory_space<vmem>>) target(%dma_start3A_206 : memref<10240xf32, #tpu.memory_space<vmem_shared>>) offsets(%dma_start3A_204 : memref<128xi32, #tpu.memory_space<vmem>>) semaphore(%run_scoped3A : memref<!tpu.dma_semaphore, #tpu.memory_space<semaphore_mem>>) {add = true}
        %dma_wait3A_207 = arith.constant 0 : i32
        %dma_wait3A_208 = tpu.memref_slice %arg9[%add3A_171, %dma_wait3A_207] : memref<80x128xi32, #tpu.memory_space<vmem>> -> memref<1x128xi32, #tpu.memory_space<vmem>>
        %dma_wait3A_209 = tpu.memref_squeeze %dma_wait3A_208 : memref<1x128xi32, #tpu.memory_space<vmem>> -> memref<128xi32, #tpu.memory_space<vmem>>
        %dma_wait3A_210 = arith.constant 0 : i32
        %dma_wait3A_211 = tpu.memref_slice %arg17[%dma_wait3A_210] : memref<10240xf32, #tpu.memory_space<vmem_shared>> -> memref<10240xf32, #tpu.memory_space<vmem_shared>>
        tpu.wait_indirect_dma semaphore(%run_scoped3A : memref<!tpu.dma_semaphore, #tpu.memory_space<semaphore_mem>>) src(%arg15 : memref<128xf32, #tpu.memory_space<vmem>>) dst(%dma_wait3A_211 : memref<10240xf32, #tpu.memory_space<vmem_shared>>)
        tpu.yield
      }) : () -> ()
      %add3A_176 = arith.constant 4 : i32
      %add3A_177 = arith.addi %add3A_171, %add3A_176 : i32
      %min3A_178 = arith.constant 79 : i32
      %min3A_179 = arith.minsi %add3A_177, %min3A_178 : i32
      %dma_start3A_180 = arith.constant 0 : i32
      %dma_start3A_181 = tpu.memref_slice %arg8[%min3A_179, %dma_start3A_180] : memref<80x128xi32, #tpu.memory_space<vmem>> -> memref<1x128xi32, #tpu.memory_space<vmem>>
      %dma_start3A_182 = tpu.memref_squeeze %dma_start3A_181 : memref<1x128xi32, #tpu.memory_space<vmem>> -> memref<128xi32, #tpu.memory_space<vmem>>
      %dma_start3A_183 = arith.constant 0 : i32
      %dma_start3A_184 = tpu.memref_slice %arg18[%dma_start3A_183] : memref<10240xf32, #tpu.memory_space<vmem_shared>> -> memref<10240xf32, #tpu.memory_space<vmem_shared>>
      tpu.enqueue_indirect_dma source(%dma_start3A_184 : memref<10240xf32, #tpu.memory_space<vmem_shared>>) target(%arg15 : memref<128xf32, #tpu.memory_space<vmem>>) offsets(%dma_start3A_182 : memref<128xi32, #tpu.memory_space<vmem>>) semaphore(%arg21 : memref<!tpu.dma_semaphore, #tpu.memory_space<semaphore_mem>>)
      %mul3A_185 = arith.constant 4 : i32
      %mul3A_186 = arith.muli %scan3A_134, %mul3A_185 : i32
      %add3A_187 = arith.constant 3 : i32
      %add3A_188 = arith.addi %mul3A_186, %add3A_187 : i32
      %dma_wait3A_189 = arith.constant 0 : i32
      %dma_wait3A_190 = tpu.memref_slice %arg18[%dma_wait3A_189] : memref<10240xf32, #tpu.memory_space<vmem_shared>> -> memref<128xf32, #tpu.memory_space<vmem_shared>>
      %dma_wait3A_191 = arith.constant 0 : i32
      %dma_wait3A_192 = tpu.memref_slice %arg18[%dma_wait3A_191] : memref<10240xf32, #tpu.memory_space<vmem_shared>> -> memref<128xf32, #tpu.memory_space<vmem_shared>>
      tpu.wait_dma2 semaphore(%arg22 : memref<!tpu.dma_semaphore, #tpu.memory_space<semaphore_mem>>) src(%dma_wait3A_192 : memref<128xf32, #tpu.memory_space<vmem_shared>>) dst(%arg16 : memref<128xf32, #tpu.memory_space<vmem>>)
      "tpu.region"() ({
        %run_scoped3A = tpu.sem_alloc : memref<!tpu.dma_semaphore, #tpu.memory_space<semaphore_mem>>
        %dma_start3A_202 = arith.constant 0 : i32
        %dma_start3A_203 = tpu.memref_slice %arg9[%add3A_188, %dma_start3A_202] : memref<80x128xi32, #tpu.memory_space<vmem>> -> memref<1x128xi32, #tpu.memory_space<vmem>>
        %dma_start3A_204 = tpu.memref_squeeze %dma_start3A_203 : memref<1x128xi32, #tpu.memory_space<vmem>> -> memref<128xi32, #tpu.memory_space<vmem>>
        %dma_start3A_205 = arith.constant 0 : i32
        %dma_start3A_206 = tpu.memref_slice %arg17[%dma_start3A_205] : memref<10240xf32, #tpu.memory_space<vmem_shared>> -> memref<10240xf32, #tpu.memory_space<vmem_shared>>
        tpu.enqueue_indirect_dma source(%arg16 : memref<128xf32, #tpu.memory_space<vmem>>) target(%dma_start3A_206 : memref<10240xf32, #tpu.memory_space<vmem_shared>>) offsets(%dma_start3A_204 : memref<128xi32, #tpu.memory_space<vmem>>) semaphore(%run_scoped3A : memref<!tpu.dma_semaphore, #tpu.memory_space<semaphore_mem>>) {add = true}
        %dma_wait3A_207 = arith.constant 0 : i32
        %dma_wait3A_208 = tpu.memref_slice %arg9[%add3A_188, %dma_wait3A_207] : memref<80x128xi32, #tpu.memory_space<vmem>> -> memref<1x128xi32, #tpu.memory_space<vmem>>
        %dma_wait3A_209 = tpu.memref_squeeze %dma_wait3A_208 : memref<1x128xi32, #tpu.memory_space<vmem>> -> memref<128xi32, #tpu.memory_space<vmem>>
        %dma_wait3A_210 = arith.constant 0 : i32
        %dma_wait3A_211 = tpu.memref_slice %arg17[%dma_wait3A_210] : memref<10240xf32, #tpu.memory_space<vmem_shared>> -> memref<10240xf32, #tpu.memory_space<vmem_shared>>
        tpu.wait_indirect_dma semaphore(%run_scoped3A : memref<!tpu.dma_semaphore, #tpu.memory_space<semaphore_mem>>) src(%arg16 : memref<128xf32, #tpu.memory_space<vmem>>) dst(%dma_wait3A_211 : memref<10240xf32, #tpu.memory_space<vmem_shared>>)
        tpu.yield
      }) : () -> ()
      %add3A_193 = arith.constant 4 : i32
      %add3A_194 = arith.addi %add3A_188, %add3A_193 : i32
      %min3A_195 = arith.constant 79 : i32
      %min3A_196 = arith.minsi %add3A_194, %min3A_195 : i32
      %dma_start3A_197 = arith.constant 0 : i32
      %dma_start3A_198 = tpu.memref_slice %arg8[%min3A_196, %dma_start3A_197] : memref<80x128xi32, #tpu.memory_space<vmem>> -> memref<1x128xi32, #tpu.memory_space<vmem>>
      %dma_start3A_199 = tpu.memref_squeeze %dma_start3A_198 : memref<1x128xi32, #tpu.memory_space<vmem>> -> memref<128xi32, #tpu.memory_space<vmem>>
      %dma_start3A_200 = arith.constant 0 : i32
      %dma_start3A_201 = tpu.memref_slice %arg18[%dma_start3A_200] : memref<10240xf32, #tpu.memory_space<vmem_shared>> -> memref<10240xf32, #tpu.memory_space<vmem_shared>>
      tpu.enqueue_indirect_dma source(%dma_start3A_201 : memref<10240xf32, #tpu.memory_space<vmem_shared>>) target(%arg16 : memref<128xf32, #tpu.memory_space<vmem>>) offsets(%dma_start3A_199 : memref<128xi32, #tpu.memory_space<vmem>>) semaphore(%arg22 : memref<!tpu.dma_semaphore, #tpu.memory_space<semaphore_mem>>)
    }
    %scan3A_110 = arith.constant 20 : i32
    %dma_wait3A = arith.constant 0 : i32
    %dma_wait3A_111 = tpu.memref_slice %arg5[%dma_wait3A] : memref<20480xf32, #tpu.memory_space<hbm>> -> memref<128xf32, #tpu.memory_space<hbm>>
    %dma_wait3A_112 = arith.constant 0 : i32
    %dma_wait3A_113 = tpu.memref_slice %arg5[%dma_wait3A_112] : memref<20480xf32, #tpu.memory_space<hbm>> -> memref<128xf32, #tpu.memory_space<hbm>>
    tpu.wait_dma2 semaphore(%arg19 : memref<!tpu.dma_semaphore, #tpu.memory_space<semaphore_mem>>) src(%dma_wait3A_113 : memref<128xf32, #tpu.memory_space<hbm>>) dst(%arg13 : memref<128xf32, #tpu.memory_space<vmem>>)
    %dma_wait3A_114 = arith.constant 0 : i32
    %dma_wait3A_115 = tpu.memref_slice %arg5[%dma_wait3A_114] : memref<20480xf32, #tpu.memory_space<hbm>> -> memref<128xf32, #tpu.memory_space<hbm>>
    %dma_wait3A_116 = arith.constant 0 : i32
    %dma_wait3A_117 = tpu.memref_slice %arg5[%dma_wait3A_116] : memref<20480xf32, #tpu.memory_space<hbm>> -> memref<128xf32, #tpu.memory_space<hbm>>
    tpu.wait_dma2 semaphore(%arg20 : memref<!tpu.dma_semaphore, #tpu.memory_space<semaphore_mem>>) src(%dma_wait3A_117 : memref<128xf32, #tpu.memory_space<hbm>>) dst(%arg14 : memref<128xf32, #tpu.memory_space<vmem>>)
    %dma_wait3A_118 = arith.constant 0 : i32
    %dma_wait3A_119 = tpu.memref_slice %arg5[%dma_wait3A_118] : memref<20480xf32, #tpu.memory_space<hbm>> -> memref<128xf32, #tpu.memory_space<hbm>>
    %dma_wait3A_120 = arith.constant 0 : i32
    %dma_wait3A_121 = tpu.memref_slice %arg5[%dma_wait3A_120] : memref<20480xf32, #tpu.memory_space<hbm>> -> memref<128xf32, #tpu.memory_space<hbm>>
    tpu.wait_dma2 semaphore(%arg21 : memref<!tpu.dma_semaphore, #tpu.memory_space<semaphore_mem>>) src(%dma_wait3A_121 : memref<128xf32, #tpu.memory_space<hbm>>) dst(%arg15 : memref<128xf32, #tpu.memory_space<vmem>>)
    %dma_wait3A_122 = arith.constant 0 : i32
    %dma_wait3A_123 = tpu.memref_slice %arg5[%dma_wait3A_122] : memref<20480xf32, #tpu.memory_space<hbm>> -> memref<128xf32, #tpu.memory_space<hbm>>
    %dma_wait3A_124 = arith.constant 0 : i32
    %dma_wait3A_125 = tpu.memref_slice %arg5[%dma_wait3A_124] : memref<20480xf32, #tpu.memory_space<hbm>> -> memref<128xf32, #tpu.memory_space<hbm>>
    tpu.wait_dma2 semaphore(%arg22 : memref<!tpu.dma_semaphore, #tpu.memory_space<semaphore_mem>>) src(%dma_wait3A_125 : memref<128xf32, #tpu.memory_space<hbm>>) dst(%arg16 : memref<128xf32, #tpu.memory_space<vmem>>)
    %barrier3A_126 = arith.constant 0 : index
    tpu.barrier barrier_id(%barrier3A_126)
    %mul3A_127 = arith.constant 640 : i32
    %mul3A_128 = arith.muli %arg1, %mul3A_127 : i32
    %mul3A_129 = arith.constant 10240 : i32
    %mul3A_130 = arith.muli %arg0, %mul3A_129 : i32
    %mul3A_131 = arith.constant 640 : i32
    %mul3A_132 = arith.muli %arg1, %mul3A_131 : i32
    %add3A_133 = arith.addi %mul3A_130, %mul3A_132 : i32
    "tpu.region"() ({
      %run_scoped3A = tpu.sem_alloc : memref<!tpu.dma_semaphore, #tpu.memory_space<semaphore_mem>>
      %dma_start3A_134 = tpu.memref_slice %arg6[%add3A_133] : memref<20480xf32, #tpu.memory_space<hbm>> -> memref<640xf32, #tpu.memory_space<hbm>>
      %dma_start3A_135 = tpu.memref_slice %arg17[%mul3A_128] : memref<10240xf32, #tpu.memory_space<vmem_shared>> -> memref<640xf32, #tpu.memory_space<vmem_shared>>
      tpu.enqueue_dma source(%dma_start3A_135 : memref<640xf32, #tpu.memory_space<vmem_shared>>) target(%dma_start3A_134 : memref<640xf32, #tpu.memory_space<hbm>>) target_semaphore(%run_scoped3A : memref<!tpu.dma_semaphore, #tpu.memory_space<semaphore_mem>>)
      %dma_wait3A_136 = tpu.memref_slice %arg6[%add3A_133] : memref<20480xf32, #tpu.memory_space<hbm>> -> memref<640xf32, #tpu.memory_space<hbm>>
      %dma_wait3A_137 = tpu.memref_slice %arg17[%mul3A_128] : memref<10240xf32, #tpu.memory_space<vmem_shared>> -> memref<640xf32, #tpu.memory_space<vmem_shared>>
      tpu.wait_dma2 semaphore(%run_scoped3A : memref<!tpu.dma_semaphore, #tpu.memory_space<semaphore_mem>>) src(%dma_wait3A_137 : memref<640xf32, #tpu.memory_space<vmem_shared>>) dst(%dma_wait3A_136 : memref<640xf32, #tpu.memory_space<hbm>>)
      tpu.yield
    }) : () -> ()
    return
  }
}

#map = affine_map<(d0, d1) -> (0, 0, 0, 0)>
#map1 = affine_map<(d0, d1) -> (0, 0)>
module attributes {stable_mosaic.version = 14 : i64} {
  func.func @k(%arg0: i32, %arg1: i32, %arg2: memref<32x2x40x128xi32, #tpu.memory_space<hbm>>, %arg3: memref<32x2x40x128xi32, #tpu.memory_space<hbm>>, %arg4: memref<10240x128xf32, #tpu.memory_space<hbm>>, %arg5: memref<20480x128xf32, #tpu.memory_space<hbm>>, %arg6: memref<40x128xi32, #tpu.memory_space<vmem>>, %arg7: memref<40x128xi32, #tpu.memory_space<vmem>>, %arg8: memref<128x128xf32, #tpu.memory_space<vmem>>, %arg9: memref<128x128xf32, #tpu.memory_space<vmem>>, %arg10: memref<10240x128xf32, #tpu.memory_space<vmem_shared>>, %arg11: memref<!tpu.dma_semaphore, #tpu.memory_space<semaphore_mem>>, %arg12: memref<!tpu.dma_semaphore, #tpu.memory_space<semaphore_mem>>) attributes {dimension_semantics = [#tpu.dimension_semantics<core_parallel>, #tpu.dimension_semantics<subcore_parallel>], iteration_bounds = array<i64: 2, 16>, scalar_prefetch = 0 : i64, scratch_operands = 7 : i64, tpu.core_type = #tpu.core_type<sc_vector_subcore>, window_params = [{transform_indices = #map}, {transform_indices = #map}, {transform_indices = #map1}, {transform_indices = #map1}]} {
    %mul3A = arith.constant 2 : i32
    %mul3A_0 = arith.muli %arg1, %mul3A : i32
    %add3A = arith.addi %mul3A_0, %arg0 : i32
    %scan3A = arith.constant 0 : i32
    %scan3A_1 = arith.constant 0 : i32
    %scan3A_2 = arith.constant 128 : i32
    %scan3A_3 = arith.addi %scan3A_1, %scan3A_2 : i32
    %scan3A_4 = arith.constant 1 : i32
    scf.for %scan3A_147 = %scan3A_1 to %scan3A_3 step %scan3A_4  : i32 {
      %broadcast_in_dim3A = arith.constant 0.000000e+00 : f32
      %broadcast_in_dim3A_148 = vector.broadcast %broadcast_in_dim3A : f32 to vector<16xf32>
      %swap3A = arith.index_cast %scan3A_147 : i32 to index
      %swap3A_149 = arith.constant 0 : index
      %swap3A_150 = tpu.vector_load %arg8[%swap3A, %swap3A_149] {strides = array<i32>} : memref<128x128xf32, #tpu.memory_space<vmem>>, vector<1x16xf32>,
      %swap3A_151 = vector.shape_cast %swap3A_150 : vector<1x16xf32> to vector<16xf32>
      %swap3A_152 = vector.shape_cast %broadcast_in_dim3A_148 : vector<16xf32> to vector<1x16xf32>
      tpu.vector_store %arg8[%swap3A, %swap3A_149], %swap3A_152 {strides = array<i32>} : memref<128x128xf32, #tpu.memory_space<vmem>>, vector<1x16xf32>,
      %broadcast_in_dim3A_153 = arith.constant 0.000000e+00 : f32
      %broadcast_in_dim3A_154 = vector.broadcast %broadcast_in_dim3A_153 : f32 to vector<16xf32>
      %swap3A_155 = arith.index_cast %scan3A_147 : i32 to index
      %swap3A_156 = arith.constant 16 : index
      %swap3A_157 = tpu.vector_load %arg8[%swap3A_155, %swap3A_156] {strides = array<i32>} : memref<128x128xf32, #tpu.memory_space<vmem>>, vector<1x16xf32>,
      %swap3A_158 = vector.shape_cast %swap3A_157 : vector<1x16xf32> to vector<16xf32>
      %swap3A_159 = vector.shape_cast %broadcast_in_dim3A_154 : vector<16xf32> to vector<1x16xf32>
      tpu.vector_store %arg8[%swap3A_155, %swap3A_156], %swap3A_159 {strides = array<i32>} : memref<128x128xf32, #tpu.memory_space<vmem>>, vector<1x16xf32>,
      %broadcast_in_dim3A_160 = arith.constant 0.000000e+00 : f32
      %broadcast_in_dim3A_161 = vector.broadcast %broadcast_in_dim3A_160 : f32 to vector<16xf32>
      %swap3A_162 = arith.index_cast %scan3A_147 : i32 to index
      %swap3A_163 = arith.constant 32 : index
      %swap3A_164 = tpu.vector_load %arg8[%swap3A_162, %swap3A_163] {strides = array<i32>} : memref<128x128xf32, #tpu.memory_space<vmem>>, vector<1x16xf32>,
      %swap3A_165 = vector.shape_cast %swap3A_164 : vector<1x16xf32> to vector<16xf32>
      %swap3A_166 = vector.shape_cast %broadcast_in_dim3A_161 : vector<16xf32> to vector<1x16xf32>
      tpu.vector_store %arg8[%swap3A_162, %swap3A_163], %swap3A_166 {strides = array<i32>} : memref<128x128xf32, #tpu.memory_space<vmem>>, vector<1x16xf32>,
      %broadcast_in_dim3A_167 = arith.constant 0.000000e+00 : f32
      %broadcast_in_dim3A_168 = vector.broadcast %broadcast_in_dim3A_167 : f32 to vector<16xf32>
      %swap3A_169 = arith.index_cast %scan3A_147 : i32 to index
      %swap3A_170 = arith.constant 48 : index
      %swap3A_171 = tpu.vector_load %arg8[%swap3A_169, %swap3A_170] {strides = array<i32>} : memref<128x128xf32, #tpu.memory_space<vmem>>, vector<1x16xf32>,
      %swap3A_172 = vector.shape_cast %swap3A_171 : vector<1x16xf32> to vector<16xf32>
      %swap3A_173 = vector.shape_cast %broadcast_in_dim3A_168 : vector<16xf32> to vector<1x16xf32>
      tpu.vector_store %arg8[%swap3A_169, %swap3A_170], %swap3A_173 {strides = array<i32>} : memref<128x128xf32, #tpu.memory_space<vmem>>, vector<1x16xf32>,
      %broadcast_in_dim3A_174 = arith.constant 0.000000e+00 : f32
      %broadcast_in_dim3A_175 = vector.broadcast %broadcast_in_dim3A_174 : f32 to vector<16xf32>
      %swap3A_176 = arith.index_cast %scan3A_147 : i32 to index
      %swap3A_177 = arith.constant 64 : index
      %swap3A_178 = tpu.vector_load %arg8[%swap3A_176, %swap3A_177] {strides = array<i32>} : memref<128x128xf32, #tpu.memory_space<vmem>>, vector<1x16xf32>,
      %swap3A_179 = vector.shape_cast %swap3A_178 : vector<1x16xf32> to vector<16xf32>
      %swap3A_180 = vector.shape_cast %broadcast_in_dim3A_175 : vector<16xf32> to vector<1x16xf32>
      tpu.vector_store %arg8[%swap3A_176, %swap3A_177], %swap3A_180 {strides = array<i32>} : memref<128x128xf32, #tpu.memory_space<vmem>>, vector<1x16xf32>,
      %broadcast_in_dim3A_181 = arith.constant 0.000000e+00 : f32
      %broadcast_in_dim3A_182 = vector.broadcast %broadcast_in_dim3A_181 : f32 to vector<16xf32>
      %swap3A_183 = arith.index_cast %scan3A_147 : i32 to index
      %swap3A_184 = arith.constant 80 : index
      %swap3A_185 = tpu.vector_load %arg8[%swap3A_183, %swap3A_184] {strides = array<i32>} : memref<128x128xf32, #tpu.memory_space<vmem>>, vector<1x16xf32>,
      %swap3A_186 = vector.shape_cast %swap3A_185 : vector<1x16xf32> to vector<16xf32>
      %swap3A_187 = vector.shape_cast %broadcast_in_dim3A_182 : vector<16xf32> to vector<1x16xf32>
      tpu.vector_store %arg8[%swap3A_183, %swap3A_184], %swap3A_187 {strides = array<i32>} : memref<128x128xf32, #tpu.memory_space<vmem>>, vector<1x16xf32>,
      %broadcast_in_dim3A_188 = arith.constant 0.000000e+00 : f32
      %broadcast_in_dim3A_189 = vector.broadcast %broadcast_in_dim3A_188 : f32 to vector<16xf32>
      %swap3A_190 = arith.index_cast %scan3A_147 : i32 to index
      %swap3A_191 = arith.constant 96 : index
      %swap3A_192 = tpu.vector_load %arg8[%swap3A_190, %swap3A_191] {strides = array<i32>} : memref<128x128xf32, #tpu.memory_space<vmem>>, vector<1x16xf32>,
      %swap3A_193 = vector.shape_cast %swap3A_192 : vector<1x16xf32> to vector<16xf32>
      %swap3A_194 = vector.shape_cast %broadcast_in_dim3A_189 : vector<16xf32> to vector<1x16xf32>
      tpu.vector_store %arg8[%swap3A_190, %swap3A_191], %swap3A_194 {strides = array<i32>} : memref<128x128xf32, #tpu.memory_space<vmem>>, vector<1x16xf32>,
      %broadcast_in_dim3A_195 = arith.constant 0.000000e+00 : f32
      %broadcast_in_dim3A_196 = vector.broadcast %broadcast_in_dim3A_195 : f32 to vector<16xf32>
      %swap3A_197 = arith.index_cast %scan3A_147 : i32 to index
      %swap3A_198 = arith.constant 112 : index
      %swap3A_199 = tpu.vector_load %arg8[%swap3A_197, %swap3A_198] {strides = array<i32>} : memref<128x128xf32, #tpu.memory_space<vmem>>, vector<1x16xf32>,
      %swap3A_200 = vector.shape_cast %swap3A_199 : vector<1x16xf32> to vector<16xf32>
      %swap3A_201 = vector.shape_cast %broadcast_in_dim3A_196 : vector<16xf32> to vector<1x16xf32>
      tpu.vector_store %arg8[%swap3A_197, %swap3A_198], %swap3A_201 {strides = array<i32>} : memref<128x128xf32, #tpu.memory_space<vmem>>, vector<1x16xf32>,
    }
    %scan3A_5 = arith.constant 128 : i32
    %mul3A_6 = arith.constant 640 : i32
    %mul3A_7 = arith.muli %arg1, %mul3A_6 : i32
    %add3A_8 = arith.constant 0 : i32
    %add3A_9 = arith.addi %mul3A_7, %add3A_8 : i32
    "tpu.region"() ({
      %run_scoped3A_147 = tpu.sem_alloc : memref<!tpu.dma_semaphore, #tpu.memory_space<semaphore_mem>>
      %dma_start3A_148 = arith.constant 0 : i32
      %dma_start3A_149 = tpu.memref_slice %arg10[%add3A_9, %dma_start3A_148] : memref<10240x128xf32, #tpu.memory_space<vmem_shared>> -> memref<128x128xf32, #tpu.memory_space<vmem_shared>>
      %dma_start3A_150 = arith.constant 0 : i32
      %dma_start3A_151 = tpu.memref_slice %arg10[%add3A_9, %dma_start3A_150] : memref<10240x128xf32, #tpu.memory_space<vmem_shared>> -> memref<128x128xf32, #tpu.memory_space<vmem_shared>>
      tpu.enqueue_dma source(%arg8 : memref<128x128xf32, #tpu.memory_space<vmem>>) target(%dma_start3A_151 : memref<128x128xf32, #tpu.memory_space<vmem_shared>>) target_semaphore(%run_scoped3A_147 : memref<!tpu.dma_semaphore, #tpu.memory_space<semaphore_mem>>)
      %dma_wait3A_152 = arith.constant 0 : i32
      %dma_wait3A_153 = tpu.memref_slice %arg10[%add3A_9, %dma_wait3A_152] : memref<10240x128xf32, #tpu.memory_space<vmem_shared>> -> memref<128x128xf32, #tpu.memory_space<vmem_shared>>
      %dma_wait3A_154 = arith.constant 0 : i32
      %dma_wait3A_155 = tpu.memref_slice %arg10[%add3A_9, %dma_wait3A_154] : memref<10240x128xf32, #tpu.memory_space<vmem_shared>> -> memref<128x128xf32, #tpu.memory_space<vmem_shared>>
      tpu.wait_dma2 semaphore(%run_scoped3A_147 : memref<!tpu.dma_semaphore, #tpu.memory_space<semaphore_mem>>) src(%arg8 : memref<128x128xf32, #tpu.memory_space<vmem>>) dst(%dma_wait3A_155 : memref<128x128xf32, #tpu.memory_space<vmem_shared>>)
      tpu.yield
    }) : () -> ()
    %mul3A_10 = arith.constant 640 : i32
    %mul3A_11 = arith.muli %arg1, %mul3A_10 : i32
    %add3A_12 = arith.constant 128 : i32
    %add3A_13 = arith.addi %mul3A_11, %add3A_12 : i32
    "tpu.region"() ({
      %run_scoped3A_147 = tpu.sem_alloc : memref<!tpu.dma_semaphore, #tpu.memory_space<semaphore_mem>>
      %dma_start3A_148 = arith.constant 0 : i32
      %dma_start3A_149 = tpu.memref_slice %arg10[%add3A_13, %dma_start3A_148] : memref<10240x128xf32, #tpu.memory_space<vmem_shared>> -> memref<128x128xf32, #tpu.memory_space<vmem_shared>>
      %dma_start3A_150 = arith.constant 0 : i32
      %dma_start3A_151 = tpu.memref_slice %arg10[%add3A_13, %dma_start3A_150] : memref<10240x128xf32, #tpu.memory_space<vmem_shared>> -> memref<128x128xf32, #tpu.memory_space<vmem_shared>>
      tpu.enqueue_dma source(%arg8 : memref<128x128xf32, #tpu.memory_space<vmem>>) target(%dma_start3A_151 : memref<128x128xf32, #tpu.memory_space<vmem_shared>>) target_semaphore(%run_scoped3A_147 : memref<!tpu.dma_semaphore, #tpu.memory_space<semaphore_mem>>)
      %dma_wait3A_152 = arith.constant 0 : i32
      %dma_wait3A_153 = tpu.memref_slice %arg10[%add3A_13, %dma_wait3A_152] : memref<10240x128xf32, #tpu.memory_space<vmem_shared>> -> memref<128x128xf32, #tpu.memory_space<vmem_shared>>
      %dma_wait3A_154 = arith.constant 0 : i32
      %dma_wait3A_155 = tpu.memref_slice %arg10[%add3A_13, %dma_wait3A_154] : memref<10240x128xf32, #tpu.memory_space<vmem_shared>> -> memref<128x128xf32, #tpu.memory_space<vmem_shared>>
      tpu.wait_dma2 semaphore(%run_scoped3A_147 : memref<!tpu.dma_semaphore, #tpu.memory_space<semaphore_mem>>) src(%arg8 : memref<128x128xf32, #tpu.memory_space<vmem>>) dst(%dma_wait3A_155 : memref<128x128xf32, #tpu.memory_space<vmem_shared>>)
      tpu.yield
    }) : () -> ()
    %mul3A_14 = arith.constant 640 : i32
    %mul3A_15 = arith.muli %arg1, %mul3A_14 : i32
    %add3A_16 = arith.constant 256 : i32
    %add3A_17 = arith.addi %mul3A_15, %add3A_16 : i32
    "tpu.region"() ({
      %run_scoped3A_147 = tpu.sem_alloc : memref<!tpu.dma_semaphore, #tpu.memory_space<semaphore_mem>>
      %dma_start3A_148 = arith.constant 0 : i32
      %dma_start3A_149 = tpu.memref_slice %arg10[%add3A_17, %dma_start3A_148] : memref<10240x128xf32, #tpu.memory_space<vmem_shared>> -> memref<128x128xf32, #tpu.memory_space<vmem_shared>>
      %dma_start3A_150 = arith.constant 0 : i32
      %dma_start3A_151 = tpu.memref_slice %arg10[%add3A_17, %dma_start3A_150] : memref<10240x128xf32, #tpu.memory_space<vmem_shared>> -> memref<128x128xf32, #tpu.memory_space<vmem_shared>>
      tpu.enqueue_dma source(%arg8 : memref<128x128xf32, #tpu.memory_space<vmem>>) target(%dma_start3A_151 : memref<128x128xf32, #tpu.memory_space<vmem_shared>>) target_semaphore(%run_scoped3A_147 : memref<!tpu.dma_semaphore, #tpu.memory_space<semaphore_mem>>)
      %dma_wait3A_152 = arith.constant 0 : i32
      %dma_wait3A_153 = tpu.memref_slice %arg10[%add3A_17, %dma_wait3A_152] : memref<10240x128xf32, #tpu.memory_space<vmem_shared>> -> memref<128x128xf32, #tpu.memory_space<vmem_shared>>
      %dma_wait3A_154 = arith.constant 0 : i32
      %dma_wait3A_155 = tpu.memref_slice %arg10[%add3A_17, %dma_wait3A_154] : memref<10240x128xf32, #tpu.memory_space<vmem_shared>> -> memref<128x128xf32, #tpu.memory_space<vmem_shared>>
      tpu.wait_dma2 semaphore(%run_scoped3A_147 : memref<!tpu.dma_semaphore, #tpu.memory_space<semaphore_mem>>) src(%arg8 : memref<128x128xf32, #tpu.memory_space<vmem>>) dst(%dma_wait3A_155 : memref<128x128xf32, #tpu.memory_space<vmem_shared>>)
      tpu.yield
    }) : () -> ()
    %mul3A_18 = arith.constant 640 : i32
    %mul3A_19 = arith.muli %arg1, %mul3A_18 : i32
    %add3A_20 = arith.constant 384 : i32
    %add3A_21 = arith.addi %mul3A_19, %add3A_20 : i32
    "tpu.region"() ({
      %run_scoped3A_147 = tpu.sem_alloc : memref<!tpu.dma_semaphore, #tpu.memory_space<semaphore_mem>>
      %dma_start3A_148 = arith.constant 0 : i32
      %dma_start3A_149 = tpu.memref_slice %arg10[%add3A_21, %dma_start3A_148] : memref<10240x128xf32, #tpu.memory_space<vmem_shared>> -> memref<128x128xf32, #tpu.memory_space<vmem_shared>>
      %dma_start3A_150 = arith.constant 0 : i32
      %dma_start3A_151 = tpu.memref_slice %arg10[%add3A_21, %dma_start3A_150] : memref<10240x128xf32, #tpu.memory_space<vmem_shared>> -> memref<128x128xf32, #tpu.memory_space<vmem_shared>>
      tpu.enqueue_dma source(%arg8 : memref<128x128xf32, #tpu.memory_space<vmem>>) target(%dma_start3A_151 : memref<128x128xf32, #tpu.memory_space<vmem_shared>>) target_semaphore(%run_scoped3A_147 : memref<!tpu.dma_semaphore, #tpu.memory_space<semaphore_mem>>)
      %dma_wait3A_152 = arith.constant 0 : i32
      %dma_wait3A_153 = tpu.memref_slice %arg10[%add3A_21, %dma_wait3A_152] : memref<10240x128xf32, #tpu.memory_space<vmem_shared>> -> memref<128x128xf32, #tpu.memory_space<vmem_shared>>
      %dma_wait3A_154 = arith.constant 0 : i32
      %dma_wait3A_155 = tpu.memref_slice %arg10[%add3A_21, %dma_wait3A_154] : memref<10240x128xf32, #tpu.memory_space<vmem_shared>> -> memref<128x128xf32, #tpu.memory_space<vmem_shared>>
      tpu.wait_dma2 semaphore(%run_scoped3A_147 : memref<!tpu.dma_semaphore, #tpu.memory_space<semaphore_mem>>) src(%arg8 : memref<128x128xf32, #tpu.memory_space<vmem>>) dst(%dma_wait3A_155 : memref<128x128xf32, #tpu.memory_space<vmem_shared>>)
      tpu.yield
    }) : () -> ()
    %mul3A_22 = arith.constant 640 : i32
    %mul3A_23 = arith.muli %arg1, %mul3A_22 : i32
    %add3A_24 = arith.constant 512 : i32
    %add3A_25 = arith.addi %mul3A_23, %add3A_24 : i32
    "tpu.region"() ({
      %run_scoped3A_147 = tpu.sem_alloc : memref<!tpu.dma_semaphore, #tpu.memory_space<semaphore_mem>>
      %dma_start3A_148 = arith.constant 0 : i32
      %dma_start3A_149 = tpu.memref_slice %arg10[%add3A_25, %dma_start3A_148] : memref<10240x128xf32, #tpu.memory_space<vmem_shared>> -> memref<128x128xf32, #tpu.memory_space<vmem_shared>>
      %dma_start3A_150 = arith.constant 0 : i32
      %dma_start3A_151 = tpu.memref_slice %arg10[%add3A_25, %dma_start3A_150] : memref<10240x128xf32, #tpu.memory_space<vmem_shared>> -> memref<128x128xf32, #tpu.memory_space<vmem_shared>>
      tpu.enqueue_dma source(%arg8 : memref<128x128xf32, #tpu.memory_space<vmem>>) target(%dma_start3A_151 : memref<128x128xf32, #tpu.memory_space<vmem_shared>>) target_semaphore(%run_scoped3A_147 : memref<!tpu.dma_semaphore, #tpu.memory_space<semaphore_mem>>)
      %dma_wait3A_152 = arith.constant 0 : i32
      %dma_wait3A_153 = tpu.memref_slice %arg10[%add3A_25, %dma_wait3A_152] : memref<10240x128xf32, #tpu.memory_space<vmem_shared>> -> memref<128x128xf32, #tpu.memory_space<vmem_shared>>
      %dma_wait3A_154 = arith.constant 0 : i32
      %dma_wait3A_155 = tpu.memref_slice %arg10[%add3A_25, %dma_wait3A_154] : memref<10240x128xf32, #tpu.memory_space<vmem_shared>> -> memref<128x128xf32, #tpu.memory_space<vmem_shared>>
      tpu.wait_dma2 semaphore(%run_scoped3A_147 : memref<!tpu.dma_semaphore, #tpu.memory_space<semaphore_mem>>) src(%arg8 : memref<128x128xf32, #tpu.memory_space<vmem>>) dst(%dma_wait3A_155 : memref<128x128xf32, #tpu.memory_space<vmem_shared>>)
      tpu.yield
    }) : () -> ()
    %barrier3A = arith.constant 0 : index
    tpu.barrier barrier_id(%barrier3A)
    %run_scoped3A = arith.constant 0 : i32
    "tpu.region"() ({
      %run_scoped3A_147 = tpu.sem_alloc : memref<!tpu.dma_semaphore, #tpu.memory_space<semaphore_mem>>
      %dma_start3A_148 = arith.constant 0 : i32
      %dma_start3A_149 = arith.constant 0 : i32
      %dma_start3A_150 = tpu.memref_slice %arg2[%add3A, %run_scoped3A, %dma_start3A_148, %dma_start3A_149] : memref<32x2x40x128xi32, #tpu.memory_space<hbm>> -> memref<1x1x40x128xi32, #tpu.memory_space<hbm>>
      %dma_start3A_151 = tpu.memref_squeeze %dma_start3A_150 : memref<1x1x40x128xi32, #tpu.memory_space<hbm>> -> memref<40x128xi32, #tpu.memory_space<hbm>>
      %dma_start3A_152 = arith.constant 0 : i32
      %dma_start3A_153 = arith.constant 0 : i32
      %dma_start3A_154 = tpu.memref_slice %arg2[%add3A, %run_scoped3A, %dma_start3A_152, %dma_start3A_153] : memref<32x2x40x128xi32, #tpu.memory_space<hbm>> -> memref<1x1x40x128xi32, #tpu.memory_space<hbm>>
      %dma_start3A_155 = tpu.memref_squeeze %dma_start3A_154 : memref<1x1x40x128xi32, #tpu.memory_space<hbm>> -> memref<40x128xi32, #tpu.memory_space<hbm>>
      tpu.enqueue_dma source(%dma_start3A_155 : memref<40x128xi32, #tpu.memory_space<hbm>>) target(%arg6 : memref<40x128xi32, #tpu.memory_space<vmem>>) target_semaphore(%run_scoped3A_147 : memref<!tpu.dma_semaphore, #tpu.memory_space<semaphore_mem>>)
      %dma_wait3A_156 = arith.constant 0 : i32
      %dma_wait3A_157 = arith.constant 0 : i32
      %dma_wait3A_158 = tpu.memref_slice %arg2[%add3A, %run_scoped3A, %dma_wait3A_156, %dma_wait3A_157] : memref<32x2x40x128xi32, #tpu.memory_space<hbm>> -> memref<1x1x40x128xi32, #tpu.memory_space<hbm>>
      %dma_wait3A_159 = tpu.memref_squeeze %dma_wait3A_158 : memref<1x1x40x128xi32, #tpu.memory_space<hbm>> -> memref<40x128xi32, #tpu.memory_space<hbm>>
      %dma_wait3A_160 = arith.constant 0 : i32
      %dma_wait3A_161 = arith.constant 0 : i32
      %dma_wait3A_162 = tpu.memref_slice %arg2[%add3A, %run_scoped3A, %dma_wait3A_160, %dma_wait3A_161] : memref<32x2x40x128xi32, #tpu.memory_space<hbm>> -> memref<1x1x40x128xi32, #tpu.memory_space<hbm>>
      %dma_wait3A_163 = tpu.memref_squeeze %dma_wait3A_162 : memref<1x1x40x128xi32, #tpu.memory_space<hbm>> -> memref<40x128xi32, #tpu.memory_space<hbm>>
      tpu.wait_dma2 semaphore(%run_scoped3A_147 : memref<!tpu.dma_semaphore, #tpu.memory_space<semaphore_mem>>) src(%dma_wait3A_163 : memref<40x128xi32, #tpu.memory_space<hbm>>) dst(%arg6 : memref<40x128xi32, #tpu.memory_space<vmem>>)
      tpu.yield
    }) : () -> ()
    %run_scoped3A_26 = arith.constant 0 : i32
    "tpu.region"() ({
      %run_scoped3A_147 = tpu.sem_alloc : memref<!tpu.dma_semaphore, #tpu.memory_space<semaphore_mem>>
      %dma_start3A_148 = arith.constant 0 : i32
      %dma_start3A_149 = arith.constant 0 : i32
      %dma_start3A_150 = tpu.memref_slice %arg3[%add3A, %run_scoped3A_26, %dma_start3A_148, %dma_start3A_149] : memref<32x2x40x128xi32, #tpu.memory_space<hbm>> -> memref<1x1x40x128xi32, #tpu.memory_space<hbm>>
      %dma_start3A_151 = tpu.memref_squeeze %dma_start3A_150 : memref<1x1x40x128xi32, #tpu.memory_space<hbm>> -> memref<40x128xi32, #tpu.memory_space<hbm>>
      %dma_start3A_152 = arith.constant 0 : i32
      %dma_start3A_153 = arith.constant 0 : i32
      %dma_start3A_154 = tpu.memref_slice %arg3[%add3A, %run_scoped3A_26, %dma_start3A_152, %dma_start3A_153] : memref<32x2x40x128xi32, #tpu.memory_space<hbm>> -> memref<1x1x40x128xi32, #tpu.memory_space<hbm>>
      %dma_start3A_155 = tpu.memref_squeeze %dma_start3A_154 : memref<1x1x40x128xi32, #tpu.memory_space<hbm>> -> memref<40x128xi32, #tpu.memory_space<hbm>>
      tpu.enqueue_dma source(%dma_start3A_155 : memref<40x128xi32, #tpu.memory_space<hbm>>) target(%arg7 : memref<40x128xi32, #tpu.memory_space<vmem>>) target_semaphore(%run_scoped3A_147 : memref<!tpu.dma_semaphore, #tpu.memory_space<semaphore_mem>>)
      %dma_wait3A_156 = arith.constant 0 : i32
      %dma_wait3A_157 = arith.constant 0 : i32
      %dma_wait3A_158 = tpu.memref_slice %arg3[%add3A, %run_scoped3A_26, %dma_wait3A_156, %dma_wait3A_157] : memref<32x2x40x128xi32, #tpu.memory_space<hbm>> -> memref<1x1x40x128xi32, #tpu.memory_space<hbm>>
      %dma_wait3A_159 = tpu.memref_squeeze %dma_wait3A_158 : memref<1x1x40x128xi32, #tpu.memory_space<hbm>> -> memref<40x128xi32, #tpu.memory_space<hbm>>
      %dma_wait3A_160 = arith.constant 0 : i32
      %dma_wait3A_161 = arith.constant 0 : i32
      %dma_wait3A_162 = tpu.memref_slice %arg3[%add3A, %run_scoped3A_26, %dma_wait3A_160, %dma_wait3A_161] : memref<32x2x40x128xi32, #tpu.memory_space<hbm>> -> memref<1x1x40x128xi32, #tpu.memory_space<hbm>>
      %dma_wait3A_163 = tpu.memref_squeeze %dma_wait3A_162 : memref<1x1x40x128xi32, #tpu.memory_space<hbm>> -> memref<40x128xi32, #tpu.memory_space<hbm>>
      tpu.wait_dma2 semaphore(%run_scoped3A_147 : memref<!tpu.dma_semaphore, #tpu.memory_space<semaphore_mem>>) src(%dma_wait3A_163 : memref<40x128xi32, #tpu.memory_space<hbm>>) dst(%arg7 : memref<40x128xi32, #tpu.memory_space<vmem>>)
      tpu.yield
    }) : () -> ()
    %dma_start3A = arith.constant 0 : i32
    %dma_start3A_27 = arith.constant 0 : i32
    %dma_start3A_28 = tpu.memref_slice %arg6[%dma_start3A, %dma_start3A_27] : memref<40x128xi32, #tpu.memory_space<vmem>> -> memref<1x128xi32, #tpu.memory_space<vmem>>
    %dma_start3A_29 = tpu.memref_squeeze %dma_start3A_28 : memref<1x128xi32, #tpu.memory_space<vmem>> -> memref<128xi32, #tpu.memory_space<vmem>>
    %dma_start3A_30 = arith.constant 0 : i32
    %dma_start3A_31 = arith.constant 0 : i32
    %dma_start3A_32 = tpu.memref_slice %arg4[%dma_start3A_30, %dma_start3A_31] : memref<10240x128xf32, #tpu.memory_space<hbm>> -> memref<10240x128xf32, #tpu.memory_space<hbm>>
    tpu.enqueue_indirect_dma source(%dma_start3A_32 : memref<10240x128xf32, #tpu.memory_space<hbm>>) target(%arg8 : memref<128x128xf32, #tpu.memory_space<vmem>>) offsets(%dma_start3A_29 : memref<128xi32, #tpu.memory_space<vmem>>) semaphore(%arg11 : memref<!tpu.dma_semaphore, #tpu.memory_space<semaphore_mem>>)
    %dma_start3A_33 = arith.constant 1 : i32
    %dma_start3A_34 = arith.constant 0 : i32
    %dma_start3A_35 = tpu.memref_slice %arg6[%dma_start3A_33, %dma_start3A_34] : memref<40x128xi32, #tpu.memory_space<vmem>> -> memref<1x128xi32, #tpu.memory_space<vmem>>
    %dma_start3A_36 = tpu.memref_squeeze %dma_start3A_35 : memref<1x128xi32, #tpu.memory_space<vmem>> -> memref<128xi32, #tpu.memory_space<vmem>>
    %dma_start3A_37 = arith.constant 0 : i32
    %dma_start3A_38 = arith.constant 0 : i32
    %dma_start3A_39 = tpu.memref_slice %arg4[%dma_start3A_37, %dma_start3A_38] : memref<10240x128xf32, #tpu.memory_space<hbm>> -> memref<10240x128xf32, #tpu.memory_space<hbm>>
    tpu.enqueue_indirect_dma source(%dma_start3A_39 : memref<10240x128xf32, #tpu.memory_space<hbm>>) target(%arg9 : memref<128x128xf32, #tpu.memory_space<vmem>>) offsets(%dma_start3A_36 : memref<128xi32, #tpu.memory_space<vmem>>) semaphore(%arg12 : memref<!tpu.dma_semaphore, #tpu.memory_space<semaphore_mem>>)
    %scan3A_40 = arith.constant 0 : i32
    %scan3A_41 = arith.constant 0 : i32
    %scan3A_42 = arith.constant 20 : i32
    %scan3A_43 = arith.addi %scan3A_41, %scan3A_42 : i32
    %scan3A_44 = arith.constant 1 : i32
    scf.for %scan3A_147 = %scan3A_41 to %scan3A_43 step %scan3A_44  : i32 {
      %mul3A_148 = arith.constant 2 : i32
      %mul3A_149 = arith.muli %scan3A_147, %mul3A_148 : i32
      %add3A_150 = arith.constant 0 : i32
      %add3A_151 = arith.addi %mul3A_149, %add3A_150 : i32
      %dma_wait3A_152 = arith.constant 0 : i32
      %dma_wait3A_153 = arith.constant 0 : i32
      %dma_wait3A_154 = tpu.memref_slice %arg4[%dma_wait3A_152, %dma_wait3A_153] : memref<10240x128xf32, #tpu.memory_space<hbm>> -> memref<128x128xf32, #tpu.memory_space<hbm>>
      %dma_wait3A_155 = arith.constant 0 : i32
      %dma_wait3A_156 = arith.constant 0 : i32
      %dma_wait3A_157 = tpu.memref_slice %arg4[%dma_wait3A_155, %dma_wait3A_156] : memref<10240x128xf32, #tpu.memory_space<hbm>> -> memref<128x128xf32, #tpu.memory_space<hbm>>
      tpu.wait_dma2 semaphore(%arg11 : memref<!tpu.dma_semaphore, #tpu.memory_space<semaphore_mem>>) src(%dma_wait3A_157 : memref<128x128xf32, #tpu.memory_space<hbm>>) dst(%arg8 : memref<128x128xf32, #tpu.memory_space<vmem>>)
      "tpu.region"() ({
        %run_scoped3A_187 = tpu.sem_alloc : memref<!tpu.dma_semaphore, #tpu.memory_space<semaphore_mem>>
        %dma_start3A_188 = arith.constant 0 : i32
        %dma_start3A_189 = tpu.memref_slice %arg7[%add3A_151, %dma_start3A_188] : memref<40x128xi32, #tpu.memory_space<vmem>> -> memref<1x128xi32, #tpu.memory_space<vmem>>
        %dma_start3A_190 = tpu.memref_squeeze %dma_start3A_189 : memref<1x128xi32, #tpu.memory_space<vmem>> -> memref<128xi32, #tpu.memory_space<vmem>>
        %dma_start3A_191 = arith.constant 0 : i32
        %dma_start3A_192 = arith.constant 0 : i32
        %dma_start3A_193 = tpu.memref_slice %arg10[%dma_start3A_191, %dma_start3A_192] : memref<10240x128xf32, #tpu.memory_space<vmem_shared>> -> memref<10240x128xf32, #tpu.memory_space<vmem_shared>>
        tpu.enqueue_indirect_dma source(%arg8 : memref<128x128xf32, #tpu.memory_space<vmem>>) target(%dma_start3A_193 : memref<10240x128xf32, #tpu.memory_space<vmem_shared>>) offsets(%dma_start3A_190 : memref<128xi32, #tpu.memory_space<vmem>>) semaphore(%run_scoped3A_187 : memref<!tpu.dma_semaphore, #tpu.memory_space<semaphore_mem>>) {add = true}
        %dma_wait3A_194 = arith.constant 0 : i32
        %dma_wait3A_195 = tpu.memref_slice %arg7[%add3A_151, %dma_wait3A_194] : memref<40x128xi32, #tpu.memory_space<vmem>> -> memref<1x128xi32, #tpu.memory_space<vmem>>
        %dma_wait3A_196 = tpu.memref_squeeze %dma_wait3A_195 : memref<1x128xi32, #tpu.memory_space<vmem>> -> memref<128xi32, #tpu.memory_space<vmem>>
        %dma_wait3A_197 = arith.constant 0 : i32
        %dma_wait3A_198 = arith.constant 0 : i32
        %dma_wait3A_199 = tpu.memref_slice %arg10[%dma_wait3A_197, %dma_wait3A_198] : memref<10240x128xf32, #tpu.memory_space<vmem_shared>> -> memref<10240x128xf32, #tpu.memory_space<vmem_shared>>
        tpu.wait_indirect_dma semaphore(%run_scoped3A_187 : memref<!tpu.dma_semaphore, #tpu.memory_space<semaphore_mem>>) src(%arg8 : memref<128x128xf32, #tpu.memory_space<vmem>>) dst(%dma_wait3A_199 : memref<10240x128xf32, #tpu.memory_space<vmem_shared>>)
        tpu.yield
      }) : () -> ()
      %add3A_158 = arith.constant 2 : i32
      %add3A_159 = arith.addi %add3A_151, %add3A_158 : i32
      %min3A = arith.constant 39 : i32
      %min3A_160 = arith.minsi %add3A_159, %min3A : i32
      %dma_start3A_161 = arith.constant 0 : i32
      %dma_start3A_162 = tpu.memref_slice %arg6[%min3A_160, %dma_start3A_161] : memref<40x128xi32, #tpu.memory_space<vmem>> -> memref<1x128xi32, #tpu.memory_space<vmem>>
      %dma_start3A_163 = tpu.memref_squeeze %dma_start3A_162 : memref<1x128xi32, #tpu.memory_space<vmem>> -> memref<128xi32, #tpu.memory_space<vmem>>
      %dma_start3A_164 = arith.constant 0 : i32
      %dma_start3A_165 = arith.constant 0 : i32
      %dma_start3A_166 = tpu.memref_slice %arg4[%dma_start3A_164, %dma_start3A_165] : memref<10240x128xf32, #tpu.memory_space<hbm>> -> memref<10240x128xf32, #tpu.memory_space<hbm>>
      tpu.enqueue_indirect_dma source(%dma_start3A_166 : memref<10240x128xf32, #tpu.memory_space<hbm>>) target(%arg8 : memref<128x128xf32, #tpu.memory_space<vmem>>) offsets(%dma_start3A_163 : memref<128xi32, #tpu.memory_space<vmem>>) semaphore(%arg11 : memref<!tpu.dma_semaphore, #tpu.memory_space<semaphore_mem>>)
      %mul3A_167 = arith.constant 2 : i32
      %mul3A_168 = arith.muli %scan3A_147, %mul3A_167 : i32
      %add3A_169 = arith.constant 1 : i32
      %add3A_170 = arith.addi %mul3A_168, %add3A_169 : i32
      %dma_wait3A_171 = arith.constant 0 : i32
      %dma_wait3A_172 = arith.constant 0 : i32
      %dma_wait3A_173 = tpu.memref_slice %arg4[%dma_wait3A_171, %dma_wait3A_172] : memref<10240x128xf32, #tpu.memory_space<hbm>> -> memref<128x128xf32, #tpu.memory_space<hbm>>
      %dma_wait3A_174 = arith.constant 0 : i32
      %dma_wait3A_175 = arith.constant 0 : i32
      %dma_wait3A_176 = tpu.memref_slice %arg4[%dma_wait3A_174, %dma_wait3A_175] : memref<10240x128xf32, #tpu.memory_space<hbm>> -> memref<128x128xf32, #tpu.memory_space<hbm>>
      tpu.wait_dma2 semaphore(%arg12 : memref<!tpu.dma_semaphore, #tpu.memory_space<semaphore_mem>>) src(%dma_wait3A_176 : memref<128x128xf32, #tpu.memory_space<hbm>>) dst(%arg9 : memref<128x128xf32, #tpu.memory_space<vmem>>)
      "tpu.region"() ({
        %run_scoped3A_187 = tpu.sem_alloc : memref<!tpu.dma_semaphore, #tpu.memory_space<semaphore_mem>>
        %dma_start3A_188 = arith.constant 0 : i32
        %dma_start3A_189 = tpu.memref_slice %arg7[%add3A_170, %dma_start3A_188] : memref<40x128xi32, #tpu.memory_space<vmem>> -> memref<1x128xi32, #tpu.memory_space<vmem>>
        %dma_start3A_190 = tpu.memref_squeeze %dma_start3A_189 : memref<1x128xi32, #tpu.memory_space<vmem>> -> memref<128xi32, #tpu.memory_space<vmem>>
        %dma_start3A_191 = arith.constant 0 : i32
        %dma_start3A_192 = arith.constant 0 : i32
        %dma_start3A_193 = tpu.memref_slice %arg10[%dma_start3A_191, %dma_start3A_192] : memref<10240x128xf32, #tpu.memory_space<vmem_shared>> -> memref<10240x128xf32, #tpu.memory_space<vmem_shared>>
        tpu.enqueue_indirect_dma source(%arg9 : memref<128x128xf32, #tpu.memory_space<vmem>>) target(%dma_start3A_193 : memref<10240x128xf32, #tpu.memory_space<vmem_shared>>) offsets(%dma_start3A_190 : memref<128xi32, #tpu.memory_space<vmem>>) semaphore(%run_scoped3A_187 : memref<!tpu.dma_semaphore, #tpu.memory_space<semaphore_mem>>) {add = true}
        %dma_wait3A_194 = arith.constant 0 : i32
        %dma_wait3A_195 = tpu.memref_slice %arg7[%add3A_170, %dma_wait3A_194] : memref<40x128xi32, #tpu.memory_space<vmem>> -> memref<1x128xi32, #tpu.memory_space<vmem>>
        %dma_wait3A_196 = tpu.memref_squeeze %dma_wait3A_195 : memref<1x128xi32, #tpu.memory_space<vmem>> -> memref<128xi32, #tpu.memory_space<vmem>>
        %dma_wait3A_197 = arith.constant 0 : i32
        %dma_wait3A_198 = arith.constant 0 : i32
        %dma_wait3A_199 = tpu.memref_slice %arg10[%dma_wait3A_197, %dma_wait3A_198] : memref<10240x128xf32, #tpu.memory_space<vmem_shared>> -> memref<10240x128xf32, #tpu.memory_space<vmem_shared>>
        tpu.wait_indirect_dma semaphore(%run_scoped3A_187 : memref<!tpu.dma_semaphore, #tpu.memory_space<semaphore_mem>>) src(%arg9 : memref<128x128xf32, #tpu.memory_space<vmem>>) dst(%dma_wait3A_199 : memref<10240x128xf32, #tpu.memory_space<vmem_shared>>)
        tpu.yield
      }) : () -> ()
      %add3A_177 = arith.constant 2 : i32
      %add3A_178 = arith.addi %add3A_170, %add3A_177 : i32
      %min3A_179 = arith.constant 39 : i32
      %min3A_180 = arith.minsi %add3A_178, %min3A_179 : i32
      %dma_start3A_181 = arith.constant 0 : i32
      %dma_start3A_182 = tpu.memref_slice %arg6[%min3A_180, %dma_start3A_181] : memref<40x128xi32, #tpu.memory_space<vmem>> -> memref<1x128xi32, #tpu.memory_space<vmem>>
      %dma_start3A_183 = tpu.memref_squeeze %dma_start3A_182 : memref<1x128xi32, #tpu.memory_space<vmem>> -> memref<128xi32, #tpu.memory_space<vmem>>
      %dma_start3A_184 = arith.constant 0 : i32
      %dma_start3A_185 = arith.constant 0 : i32
      %dma_start3A_186 = tpu.memref_slice %arg4[%dma_start3A_184, %dma_start3A_185] : memref<10240x128xf32, #tpu.memory_space<hbm>> -> memref<10240x128xf32, #tpu.memory_space<hbm>>
      tpu.enqueue_indirect_dma source(%dma_start3A_186 : memref<10240x128xf32, #tpu.memory_space<hbm>>) target(%arg9 : memref<128x128xf32, #tpu.memory_space<vmem>>) offsets(%dma_start3A_183 : memref<128xi32, #tpu.memory_space<vmem>>) semaphore(%arg12 : memref<!tpu.dma_semaphore, #tpu.memory_space<semaphore_mem>>)
    }
    %scan3A_45 = arith.constant 20 : i32
    %dma_wait3A = arith.constant 0 : i32
    %dma_wait3A_46 = arith.constant 0 : i32
    %dma_wait3A_47 = tpu.memref_slice %arg4[%dma_wait3A, %dma_wait3A_46] : memref<10240x128xf32, #tpu.memory_space<hbm>> -> memref<128x128xf32, #tpu.memory_space<hbm>>
    %dma_wait3A_48 = arith.constant 0 : i32
    %dma_wait3A_49 = arith.constant 0 : i32
    %dma_wait3A_50 = tpu.memref_slice %arg4[%dma_wait3A_48, %dma_wait3A_49] : memref<10240x128xf32, #tpu.memory_space<hbm>> -> memref<128x128xf32, #tpu.memory_space<hbm>>
    tpu.wait_dma2 semaphore(%arg11 : memref<!tpu.dma_semaphore, #tpu.memory_space<semaphore_mem>>) src(%dma_wait3A_50 : memref<128x128xf32, #tpu.memory_space<hbm>>) dst(%arg8 : memref<128x128xf32, #tpu.memory_space<vmem>>)
    %dma_wait3A_51 = arith.constant 0 : i32
    %dma_wait3A_52 = arith.constant 0 : i32
    %dma_wait3A_53 = tpu.memref_slice %arg4[%dma_wait3A_51, %dma_wait3A_52] : memref<10240x128xf32, #tpu.memory_space<hbm>> -> memref<128x128xf32, #tpu.memory_space<hbm>>
    %dma_wait3A_54 = arith.constant 0 : i32
    %dma_wait3A_55 = arith.constant 0 : i32
    %dma_wait3A_56 = tpu.memref_slice %arg4[%dma_wait3A_54, %dma_wait3A_55] : memref<10240x128xf32, #tpu.memory_space<hbm>> -> memref<128x128xf32, #tpu.memory_space<hbm>>
    tpu.wait_dma2 semaphore(%arg12 : memref<!tpu.dma_semaphore, #tpu.memory_space<semaphore_mem>>) src(%dma_wait3A_56 : memref<128x128xf32, #tpu.memory_space<hbm>>) dst(%arg9 : memref<128x128xf32, #tpu.memory_space<vmem>>)
    %run_scoped3A_57 = arith.constant 1 : i32
    "tpu.region"() ({
      %run_scoped3A_147 = tpu.sem_alloc : memref<!tpu.dma_semaphore, #tpu.memory_space<semaphore_mem>>
      %dma_start3A_148 = arith.constant 0 : i32
      %dma_start3A_149 = arith.constant 0 : i32
      %dma_start3A_150 = tpu.memref_slice %arg2[%add3A, %run_scoped3A_57, %dma_start3A_148, %dma_start3A_149] : memref<32x2x40x128xi32, #tpu.memory_space<hbm>> -> memref<1x1x40x128xi32, #tpu.memory_space<hbm>>
      %dma_start3A_151 = tpu.memref_squeeze %dma_start3A_150 : memref<1x1x40x128xi32, #tpu.memory_space<hbm>> -> memref<40x128xi32, #tpu.memory_space<hbm>>
      %dma_start3A_152 = arith.constant 0 : i32
      %dma_start3A_153 = arith.constant 0 : i32
      %dma_start3A_154 = tpu.memref_slice %arg2[%add3A, %run_scoped3A_57, %dma_start3A_152, %dma_start3A_153] : memref<32x2x40x128xi32, #tpu.memory_space<hbm>> -> memref<1x1x40x128xi32, #tpu.memory_space<hbm>>
      %dma_start3A_155 = tpu.memref_squeeze %dma_start3A_154 : memref<1x1x40x128xi32, #tpu.memory_space<hbm>> -> memref<40x128xi32, #tpu.memory_space<hbm>>
      tpu.enqueue_dma source(%dma_start3A_155 : memref<40x128xi32, #tpu.memory_space<hbm>>) target(%arg6 : memref<40x128xi32, #tpu.memory_space<vmem>>) target_semaphore(%run_scoped3A_147 : memref<!tpu.dma_semaphore, #tpu.memory_space<semaphore_mem>>)
      %dma_wait3A_156 = arith.constant 0 : i32
      %dma_wait3A_157 = arith.constant 0 : i32
      %dma_wait3A_158 = tpu.memref_slice %arg2[%add3A, %run_scoped3A_57, %dma_wait3A_156, %dma_wait3A_157] : memref<32x2x40x128xi32, #tpu.memory_space<hbm>> -> memref<1x1x40x128xi32, #tpu.memory_space<hbm>>
      %dma_wait3A_159 = tpu.memref_squeeze %dma_wait3A_158 : memref<1x1x40x128xi32, #tpu.memory_space<hbm>> -> memref<40x128xi32, #tpu.memory_space<hbm>>
      %dma_wait3A_160 = arith.constant 0 : i32
      %dma_wait3A_161 = arith.constant 0 : i32
      %dma_wait3A_162 = tpu.memref_slice %arg2[%add3A, %run_scoped3A_57, %dma_wait3A_160, %dma_wait3A_161] : memref<32x2x40x128xi32, #tpu.memory_space<hbm>> -> memref<1x1x40x128xi32, #tpu.memory_space<hbm>>
      %dma_wait3A_163 = tpu.memref_squeeze %dma_wait3A_162 : memref<1x1x40x128xi32, #tpu.memory_space<hbm>> -> memref<40x128xi32, #tpu.memory_space<hbm>>
      tpu.wait_dma2 semaphore(%run_scoped3A_147 : memref<!tpu.dma_semaphore, #tpu.memory_space<semaphore_mem>>) src(%dma_wait3A_163 : memref<40x128xi32, #tpu.memory_space<hbm>>) dst(%arg6 : memref<40x128xi32, #tpu.memory_space<vmem>>)
      tpu.yield
    }) : () -> ()
    %run_scoped3A_58 = arith.constant 1 : i32
    "tpu.region"() ({
      %run_scoped3A_147 = tpu.sem_alloc : memref<!tpu.dma_semaphore, #tpu.memory_space<semaphore_mem>>
      %dma_start3A_148 = arith.constant 0 : i32
      %dma_start3A_149 = arith.constant 0 : i32
      %dma_start3A_150 = tpu.memref_slice %arg3[%add3A, %run_scoped3A_58, %dma_start3A_148, %dma_start3A_149] : memref<32x2x40x128xi32, #tpu.memory_space<hbm>> -> memref<1x1x40x128xi32, #tpu.memory_space<hbm>>
      %dma_start3A_151 = tpu.memref_squeeze %dma_start3A_150 : memref<1x1x40x128xi32, #tpu.memory_space<hbm>> -> memref<40x128xi32, #tpu.memory_space<hbm>>
      %dma_start3A_152 = arith.constant 0 : i32
      %dma_start3A_153 = arith.constant 0 : i32
      %dma_start3A_154 = tpu.memref_slice %arg3[%add3A, %run_scoped3A_58, %dma_start3A_152, %dma_start3A_153] : memref<32x2x40x128xi32, #tpu.memory_space<hbm>> -> memref<1x1x40x128xi32, #tpu.memory_space<hbm>>
      %dma_start3A_155 = tpu.memref_squeeze %dma_start3A_154 : memref<1x1x40x128xi32, #tpu.memory_space<hbm>> -> memref<40x128xi32, #tpu.memory_space<hbm>>
      tpu.enqueue_dma source(%dma_start3A_155 : memref<40x128xi32, #tpu.memory_space<hbm>>) target(%arg7 : memref<40x128xi32, #tpu.memory_space<vmem>>) target_semaphore(%run_scoped3A_147 : memref<!tpu.dma_semaphore, #tpu.memory_space<semaphore_mem>>)
      %dma_wait3A_156 = arith.constant 0 : i32
      %dma_wait3A_157 = arith.constant 0 : i32
      %dma_wait3A_158 = tpu.memref_slice %arg3[%add3A, %run_scoped3A_58, %dma_wait3A_156, %dma_wait3A_157] : memref<32x2x40x128xi32, #tpu.memory_space<hbm>> -> memref<1x1x40x128xi32, #tpu.memory_space<hbm>>
      %dma_wait3A_159 = tpu.memref_squeeze %dma_wait3A_158 : memref<1x1x40x128xi32, #tpu.memory_space<hbm>> -> memref<40x128xi32, #tpu.memory_space<hbm>>
      %dma_wait3A_160 = arith.constant 0 : i32
      %dma_wait3A_161 = arith.constant 0 : i32
      %dma_wait3A_162 = tpu.memref_slice %arg3[%add3A, %run_scoped3A_58, %dma_wait3A_160, %dma_wait3A_161] : memref<32x2x40x128xi32, #tpu.memory_space<hbm>> -> memref<1x1x40x128xi32, #tpu.memory_space<hbm>>
      %dma_wait3A_163 = tpu.memref_squeeze %dma_wait3A_162 : memref<1x1x40x128xi32, #tpu.memory_space<hbm>> -> memref<40x128xi32, #tpu.memory_space<hbm>>
      tpu.wait_dma2 semaphore(%run_scoped3A_147 : memref<!tpu.dma_semaphore, #tpu.memory_space<semaphore_mem>>) src(%dma_wait3A_163 : memref<40x128xi32, #tpu.memory_space<hbm>>) dst(%arg7 : memref<40x128xi32, #tpu.memory_space<vmem>>)
      tpu.yield
    }) : () -> ()
    %dma_start3A_59 = arith.constant 0 : i32
    %dma_start3A_60 = arith.constant 0 : i32
    %dma_start3A_61 = tpu.memref_slice %arg6[%dma_start3A_59, %dma_start3A_60] : memref<40x128xi32, #tpu.memory_space<vmem>> -> memref<1x128xi32, #tpu.memory_space<vmem>>
    %dma_start3A_62 = tpu.memref_squeeze %dma_start3A_61 : memref<1x128xi32, #tpu.memory_space<vmem>> -> memref<128xi32, #tpu.memory_space<vmem>>
    %dma_start3A_63 = arith.constant 0 : i32
    %dma_start3A_64 = arith.constant 0 : i32
    %dma_start3A_65 = tpu.memref_slice %arg4[%dma_start3A_63, %dma_start3A_64] : memref<10240x128xf32, #tpu.memory_space<hbm>> -> memref<10240x128xf32, #tpu.memory_space<hbm>>
    tpu.enqueue_indirect_dma source(%dma_start3A_65 : memref<10240x128xf32, #tpu.memory_space<hbm>>) target(%arg8 : memref<128x128xf32, #tpu.memory_space<vmem>>) offsets(%dma_start3A_62 : memref<128xi32, #tpu.memory_space<vmem>>) semaphore(%arg11 : memref<!tpu.dma_semaphore, #tpu.memory_space<semaphore_mem>>)
    %dma_start3A_66 = arith.constant 1 : i32
    %dma_start3A_67 = arith.constant 0 : i32
    %dma_start3A_68 = tpu.memref_slice %arg6[%dma_start3A_66, %dma_start3A_67] : memref<40x128xi32, #tpu.memory_space<vmem>> -> memref<1x128xi32, #tpu.memory_space<vmem>>
    %dma_start3A_69 = tpu.memref_squeeze %dma_start3A_68 : memref<1x128xi32, #tpu.memory_space<vmem>> -> memref<128xi32, #tpu.memory_space<vmem>>
    %dma_start3A_70 = arith.constant 0 : i32
    %dma_start3A_71 = arith.constant 0 : i32
    %dma_start3A_72 = tpu.memref_slice %arg4[%dma_start3A_70, %dma_start3A_71] : memref<10240x128xf32, #tpu.memory_space<hbm>> -> memref<10240x128xf32, #tpu.memory_space<hbm>>
    tpu.enqueue_indirect_dma source(%dma_start3A_72 : memref<10240x128xf32, #tpu.memory_space<hbm>>) target(%arg9 : memref<128x128xf32, #tpu.memory_space<vmem>>) offsets(%dma_start3A_69 : memref<128xi32, #tpu.memory_space<vmem>>) semaphore(%arg12 : memref<!tpu.dma_semaphore, #tpu.memory_space<semaphore_mem>>)
    %scan3A_73 = arith.constant 0 : i32
    %scan3A_74 = arith.constant 0 : i32
    %scan3A_75 = arith.constant 20 : i32
    %scan3A_76 = arith.addi %scan3A_74, %scan3A_75 : i32
    %scan3A_77 = arith.constant 1 : i32
    scf.for %scan3A_147 = %scan3A_74 to %scan3A_76 step %scan3A_77  : i32 {
      %mul3A_148 = arith.constant 2 : i32
      %mul3A_149 = arith.muli %scan3A_147, %mul3A_148 : i32
      %add3A_150 = arith.constant 0 : i32
      %add3A_151 = arith.addi %mul3A_149, %add3A_150 : i32
      %dma_wait3A_152 = arith.constant 0 : i32
      %dma_wait3A_153 = arith.constant 0 : i32
      %dma_wait3A_154 = tpu.memref_slice %arg4[%dma_wait3A_152, %dma_wait3A_153] : memref<10240x128xf32, #tpu.memory_space<hbm>> -> memref<128x128xf32, #tpu.memory_space<hbm>>
      %dma_wait3A_155 = arith.constant 0 : i32
      %dma_wait3A_156 = arith.constant 0 : i32
      %dma_wait3A_157 = tpu.memref_slice %arg4[%dma_wait3A_155, %dma_wait3A_156] : memref<10240x128xf32, #tpu.memory_space<hbm>> -> memref<128x128xf32, #tpu.memory_space<hbm>>
      tpu.wait_dma2 semaphore(%arg11 : memref<!tpu.dma_semaphore, #tpu.memory_space<semaphore_mem>>) src(%dma_wait3A_157 : memref<128x128xf32, #tpu.memory_space<hbm>>) dst(%arg8 : memref<128x128xf32, #tpu.memory_space<vmem>>)
      "tpu.region"() ({
        %run_scoped3A_187 = tpu.sem_alloc : memref<!tpu.dma_semaphore, #tpu.memory_space<semaphore_mem>>
        %dma_start3A_188 = arith.constant 0 : i32
        %dma_start3A_189 = tpu.memref_slice %arg7[%add3A_151, %dma_start3A_188] : memref<40x128xi32, #tpu.memory_space<vmem>> -> memref<1x128xi32, #tpu.memory_space<vmem>>
        %dma_start3A_190 = tpu.memref_squeeze %dma_start3A_189 : memref<1x128xi32, #tpu.memory_space<vmem>> -> memref<128xi32, #tpu.memory_space<vmem>>
        %dma_start3A_191 = arith.constant 0 : i32
        %dma_start3A_192 = arith.constant 0 : i32
        %dma_start3A_193 = tpu.memref_slice %arg10[%dma_start3A_191, %dma_start3A_192] : memref<10240x128xf32, #tpu.memory_space<vmem_shared>> -> memref<10240x128xf32, #tpu.memory_space<vmem_shared>>
        tpu.enqueue_indirect_dma source(%arg8 : memref<128x128xf32, #tpu.memory_space<vmem>>) target(%dma_start3A_193 : memref<10240x128xf32, #tpu.memory_space<vmem_shared>>) offsets(%dma_start3A_190 : memref<128xi32, #tpu.memory_space<vmem>>) semaphore(%run_scoped3A_187 : memref<!tpu.dma_semaphore, #tpu.memory_space<semaphore_mem>>) {add = true}
        %dma_wait3A_194 = arith.constant 0 : i32
        %dma_wait3A_195 = tpu.memref_slice %arg7[%add3A_151, %dma_wait3A_194] : memref<40x128xi32, #tpu.memory_space<vmem>> -> memref<1x128xi32, #tpu.memory_space<vmem>>
        %dma_wait3A_196 = tpu.memref_squeeze %dma_wait3A_195 : memref<1x128xi32, #tpu.memory_space<vmem>> -> memref<128xi32, #tpu.memory_space<vmem>>
        %dma_wait3A_197 = arith.constant 0 : i32
        %dma_wait3A_198 = arith.constant 0 : i32
        %dma_wait3A_199 = tpu.memref_slice %arg10[%dma_wait3A_197, %dma_wait3A_198] : memref<10240x128xf32, #tpu.memory_space<vmem_shared>> -> memref<10240x128xf32, #tpu.memory_space<vmem_shared>>
        tpu.wait_indirect_dma semaphore(%run_scoped3A_187 : memref<!tpu.dma_semaphore, #tpu.memory_space<semaphore_mem>>) src(%arg8 : memref<128x128xf32, #tpu.memory_space<vmem>>) dst(%dma_wait3A_199 : memref<10240x128xf32, #tpu.memory_space<vmem_shared>>)
        tpu.yield
      }) : () -> ()
      %add3A_158 = arith.constant 2 : i32
      %add3A_159 = arith.addi %add3A_151, %add3A_158 : i32
      %min3A = arith.constant 39 : i32
      %min3A_160 = arith.minsi %add3A_159, %min3A : i32
      %dma_start3A_161 = arith.constant 0 : i32
      %dma_start3A_162 = tpu.memref_slice %arg6[%min3A_160, %dma_start3A_161] : memref<40x128xi32, #tpu.memory_space<vmem>> -> memref<1x128xi32, #tpu.memory_space<vmem>>
      %dma_start3A_163 = tpu.memref_squeeze %dma_start3A_162 : memref<1x128xi32, #tpu.memory_space<vmem>> -> memref<128xi32, #tpu.memory_space<vmem>>
      %dma_start3A_164 = arith.constant 0 : i32
      %dma_start3A_165 = arith.constant 0 : i32
      %dma_start3A_166 = tpu.memref_slice %arg4[%dma_start3A_164, %dma_start3A_165] : memref<10240x128xf32, #tpu.memory_space<hbm>> -> memref<10240x128xf32, #tpu.memory_space<hbm>>
      tpu.enqueue_indirect_dma source(%dma_start3A_166 : memref<10240x128xf32, #tpu.memory_space<hbm>>) target(%arg8 : memref<128x128xf32, #tpu.memory_space<vmem>>) offsets(%dma_start3A_163 : memref<128xi32, #tpu.memory_space<vmem>>) semaphore(%arg11 : memref<!tpu.dma_semaphore, #tpu.memory_space<semaphore_mem>>)
      %mul3A_167 = arith.constant 2 : i32
      %mul3A_168 = arith.muli %scan3A_147, %mul3A_167 : i32
      %add3A_169 = arith.constant 1 : i32
      %add3A_170 = arith.addi %mul3A_168, %add3A_169 : i32
      %dma_wait3A_171 = arith.constant 0 : i32
      %dma_wait3A_172 = arith.constant 0 : i32
      %dma_wait3A_173 = tpu.memref_slice %arg4[%dma_wait3A_171, %dma_wait3A_172] : memref<10240x128xf32, #tpu.memory_space<hbm>> -> memref<128x128xf32, #tpu.memory_space<hbm>>
      %dma_wait3A_174 = arith.constant 0 : i32
      %dma_wait3A_175 = arith.constant 0 : i32
      %dma_wait3A_176 = tpu.memref_slice %arg4[%dma_wait3A_174, %dma_wait3A_175] : memref<10240x128xf32, #tpu.memory_space<hbm>> -> memref<128x128xf32, #tpu.memory_space<hbm>>
      tpu.wait_dma2 semaphore(%arg12 : memref<!tpu.dma_semaphore, #tpu.memory_space<semaphore_mem>>) src(%dma_wait3A_176 : memref<128x128xf32, #tpu.memory_space<hbm>>) dst(%arg9 : memref<128x128xf32, #tpu.memory_space<vmem>>)
      "tpu.region"() ({
        %run_scoped3A_187 = tpu.sem_alloc : memref<!tpu.dma_semaphore, #tpu.memory_space<semaphore_mem>>
        %dma_start3A_188 = arith.constant 0 : i32
        %dma_start3A_189 = tpu.memref_slice %arg7[%add3A_170, %dma_start3A_188] : memref<40x128xi32, #tpu.memory_space<vmem>> -> memref<1x128xi32, #tpu.memory_space<vmem>>
        %dma_start3A_190 = tpu.memref_squeeze %dma_start3A_189 : memref<1x128xi32, #tpu.memory_space<vmem>> -> memref<128xi32, #tpu.memory_space<vmem>>
        %dma_start3A_191 = arith.constant 0 : i32
        %dma_start3A_192 = arith.constant 0 : i32
        %dma_start3A_193 = tpu.memref_slice %arg10[%dma_start3A_191, %dma_start3A_192] : memref<10240x128xf32, #tpu.memory_space<vmem_shared>> -> memref<10240x128xf32, #tpu.memory_space<vmem_shared>>
        tpu.enqueue_indirect_dma source(%arg9 : memref<128x128xf32, #tpu.memory_space<vmem>>) target(%dma_start3A_193 : memref<10240x128xf32, #tpu.memory_space<vmem_shared>>) offsets(%dma_start3A_190 : memref<128xi32, #tpu.memory_space<vmem>>) semaphore(%run_scoped3A_187 : memref<!tpu.dma_semaphore, #tpu.memory_space<semaphore_mem>>) {add = true}
        %dma_wait3A_194 = arith.constant 0 : i32
        %dma_wait3A_195 = tpu.memref_slice %arg7[%add3A_170, %dma_wait3A_194] : memref<40x128xi32, #tpu.memory_space<vmem>> -> memref<1x128xi32, #tpu.memory_space<vmem>>
        %dma_wait3A_196 = tpu.memref_squeeze %dma_wait3A_195 : memref<1x128xi32, #tpu.memory_space<vmem>> -> memref<128xi32, #tpu.memory_space<vmem>>
        %dma_wait3A_197 = arith.constant 0 : i32
        %dma_wait3A_198 = arith.constant 0 : i32
        %dma_wait3A_199 = tpu.memref_slice %arg10[%dma_wait3A_197, %dma_wait3A_198] : memref<10240x128xf32, #tpu.memory_space<vmem_shared>> -> memref<10240x128xf32, #tpu.memory_space<vmem_shared>>
        tpu.wait_indirect_dma semaphore(%run_scoped3A_187 : memref<!tpu.dma_semaphore, #tpu.memory_space<semaphore_mem>>) src(%arg9 : memref<128x128xf32, #tpu.memory_space<vmem>>) dst(%dma_wait3A_199 : memref<10240x128xf32, #tpu.memory_space<vmem_shared>>)
        tpu.yield
      }) : () -> ()
      %add3A_177 = arith.constant 2 : i32
      %add3A_178 = arith.addi %add3A_170, %add3A_177 : i32
      %min3A_179 = arith.constant 39 : i32
      %min3A_180 = arith.minsi %add3A_178, %min3A_179 : i32
      %dma_start3A_181 = arith.constant 0 : i32
      %dma_start3A_182 = tpu.memref_slice %arg6[%min3A_180, %dma_start3A_181] : memref<40x128xi32, #tpu.memory_space<vmem>> -> memref<1x128xi32, #tpu.memory_space<vmem>>
      %dma_start3A_183 = tpu.memref_squeeze %dma_start3A_182 : memref<1x128xi32, #tpu.memory_space<vmem>> -> memref<128xi32, #tpu.memory_space<vmem>>
      %dma_start3A_184 = arith.constant 0 : i32
      %dma_start3A_185 = arith.constant 0 : i32
      %dma_start3A_186 = tpu.memref_slice %arg4[%dma_start3A_184, %dma_start3A_185] : memref<10240x128xf32, #tpu.memory_space<hbm>> -> memref<10240x128xf32, #tpu.memory_space<hbm>>
      tpu.enqueue_indirect_dma source(%dma_start3A_186 : memref<10240x128xf32, #tpu.memory_space<hbm>>) target(%arg9 : memref<128x128xf32, #tpu.memory_space<vmem>>) offsets(%dma_start3A_183 : memref<128xi32, #tpu.memory_space<vmem>>) semaphore(%arg12 : memref<!tpu.dma_semaphore, #tpu.memory_space<semaphore_mem>>)
    }
    %scan3A_78 = arith.constant 20 : i32
    %dma_wait3A_79 = arith.constant 0 : i32
    %dma_wait3A_80 = arith.constant 0 : i32
    %dma_wait3A_81 = tpu.memref_slice %arg4[%dma_wait3A_79, %dma_wait3A_80] : memref<10240x128xf32, #tpu.memory_space<hbm>> -> memref<128x128xf32, #tpu.memory_space<hbm>>
    %dma_wait3A_82 = arith.constant 0 : i32
    %dma_wait3A_83 = arith.constant 0 : i32
    %dma_wait3A_84 = tpu.memref_slice %arg4[%dma_wait3A_82, %dma_wait3A_83] : memref<10240x128xf32, #tpu.memory_space<hbm>> -> memref<128x128xf32, #tpu.memory_space<hbm>>
    tpu.wait_dma2 semaphore(%arg11 : memref<!tpu.dma_semaphore, #tpu.memory_space<semaphore_mem>>) src(%dma_wait3A_84 : memref<128x128xf32, #tpu.memory_space<hbm>>) dst(%arg8 : memref<128x128xf32, #tpu.memory_space<vmem>>)
    %dma_wait3A_85 = arith.constant 0 : i32
    %dma_wait3A_86 = arith.constant 0 : i32
    %dma_wait3A_87 = tpu.memref_slice %arg4[%dma_wait3A_85, %dma_wait3A_86] : memref<10240x128xf32, #tpu.memory_space<hbm>> -> memref<128x128xf32, #tpu.memory_space<hbm>>
    %dma_wait3A_88 = arith.constant 0 : i32
    %dma_wait3A_89 = arith.constant 0 : i32
    %dma_wait3A_90 = tpu.memref_slice %arg4[%dma_wait3A_88, %dma_wait3A_89] : memref<10240x128xf32, #tpu.memory_space<hbm>> -> memref<128x128xf32, #tpu.memory_space<hbm>>
    tpu.wait_dma2 semaphore(%arg12 : memref<!tpu.dma_semaphore, #tpu.memory_space<semaphore_mem>>) src(%dma_wait3A_90 : memref<128x128xf32, #tpu.memory_space<hbm>>) dst(%arg9 : memref<128x128xf32, #tpu.memory_space<vmem>>)
    %barrier3A_91 = arith.constant 0 : index
    tpu.barrier barrier_id(%barrier3A_91)
    %mul3A_92 = arith.constant 640 : i32
    %mul3A_93 = arith.muli %arg1, %mul3A_92 : i32
    %add3A_94 = arith.constant 0 : i32
    %add3A_95 = arith.addi %mul3A_93, %add3A_94 : i32
    %mul3A_96 = arith.constant 10240 : i32
    %mul3A_97 = arith.muli %arg0, %mul3A_96 : i32
    %mul3A_98 = arith.constant 640 : i32
    %mul3A_99 = arith.muli %arg1, %mul3A_98 : i32
    %add3A_100 = arith.addi %mul3A_97, %mul3A_99 : i32
    %add3A_101 = arith.constant 0 : i32
    %add3A_102 = arith.addi %add3A_100, %add3A_101 : i32
    "tpu.region"() ({
      %run_scoped3A_147 = tpu.sem_alloc : memref<!tpu.dma_semaphore, #tpu.memory_space<semaphore_mem>>
      %dma_start3A_148 = arith.constant 0 : i32
      %dma_start3A_149 = tpu.memref_slice %arg5[%add3A_102, %dma_start3A_148] : memref<20480x128xf32, #tpu.memory_space<hbm>> -> memref<128x128xf32, #tpu.memory_space<hbm>>
      %dma_start3A_150 = arith.constant 0 : i32
      %dma_start3A_151 = tpu.memref_slice %arg10[%add3A_95, %dma_start3A_150] : memref<10240x128xf32, #tpu.memory_space<vmem_shared>> -> memref<128x128xf32, #tpu.memory_space<vmem_shared>>
      tpu.enqueue_dma source(%dma_start3A_151 : memref<128x128xf32, #tpu.memory_space<vmem_shared>>) target(%dma_start3A_149 : memref<128x128xf32, #tpu.memory_space<hbm>>) target_semaphore(%run_scoped3A_147 : memref<!tpu.dma_semaphore, #tpu.memory_space<semaphore_mem>>)
      %dma_wait3A_152 = arith.constant 0 : i32
      %dma_wait3A_153 = tpu.memref_slice %arg5[%add3A_102, %dma_wait3A_152] : memref<20480x128xf32, #tpu.memory_space<hbm>> -> memref<128x128xf32, #tpu.memory_space<hbm>>
      %dma_wait3A_154 = arith.constant 0 : i32
      %dma_wait3A_155 = tpu.memref_slice %arg10[%add3A_95, %dma_wait3A_154] : memref<10240x128xf32, #tpu.memory_space<vmem_shared>> -> memref<128x128xf32, #tpu.memory_space<vmem_shared>>
      tpu.wait_dma2 semaphore(%run_scoped3A_147 : memref<!tpu.dma_semaphore, #tpu.memory_space<semaphore_mem>>) src(%dma_wait3A_155 : memref<128x128xf32, #tpu.memory_space<vmem_shared>>) dst(%dma_wait3A_153 : memref<128x128xf32, #tpu.memory_space<hbm>>)
      tpu.yield
    }) : () -> ()
    %mul3A_103 = arith.constant 640 : i32
    %mul3A_104 = arith.muli %arg1, %mul3A_103 : i32
    %add3A_105 = arith.constant 128 : i32
    %add3A_106 = arith.addi %mul3A_104, %add3A_105 : i32
    %mul3A_107 = arith.constant 10240 : i32
    %mul3A_108 = arith.muli %arg0, %mul3A_107 : i32
    %mul3A_109 = arith.constant 640 : i32
    %mul3A_110 = arith.muli %arg1, %mul3A_109 : i32
    %add3A_111 = arith.addi %mul3A_108, %mul3A_110 : i32
    %add3A_112 = arith.constant 128 : i32
    %add3A_113 = arith.addi %add3A_111, %add3A_112 : i32
    "tpu.region"() ({
      %run_scoped3A_147 = tpu.sem_alloc : memref<!tpu.dma_semaphore, #tpu.memory_space<semaphore_mem>>
      %dma_start3A_148 = arith.constant 0 : i32
      %dma_start3A_149 = tpu.memref_slice %arg5[%add3A_113, %dma_start3A_148] : memref<20480x128xf32, #tpu.memory_space<hbm>> -> memref<128x128xf32, #tpu.memory_space<hbm>>
      %dma_start3A_150 = arith.constant 0 : i32
      %dma_start3A_151 = tpu.memref_slice %arg10[%add3A_106, %dma_start3A_150] : memref<10240x128xf32, #tpu.memory_space<vmem_shared>> -> memref<128x128xf32, #tpu.memory_space<vmem_shared>>
      tpu.enqueue_dma source(%dma_start3A_151 : memref<128x128xf32, #tpu.memory_space<vmem_shared>>) target(%dma_start3A_149 : memref<128x128xf32, #tpu.memory_space<hbm>>) target_semaphore(%run_scoped3A_147 : memref<!tpu.dma_semaphore, #tpu.memory_space<semaphore_mem>>)
      %dma_wait3A_152 = arith.constant 0 : i32
      %dma_wait3A_153 = tpu.memref_slice %arg5[%add3A_113, %dma_wait3A_152] : memref<20480x128xf32, #tpu.memory_space<hbm>> -> memref<128x128xf32, #tpu.memory_space<hbm>>
      %dma_wait3A_154 = arith.constant 0 : i32
      %dma_wait3A_155 = tpu.memref_slice %arg10[%add3A_106, %dma_wait3A_154] : memref<10240x128xf32, #tpu.memory_space<vmem_shared>> -> memref<128x128xf32, #tpu.memory_space<vmem_shared>>
      tpu.wait_dma2 semaphore(%run_scoped3A_147 : memref<!tpu.dma_semaphore, #tpu.memory_space<semaphore_mem>>) src(%dma_wait3A_155 : memref<128x128xf32, #tpu.memory_space<vmem_shared>>) dst(%dma_wait3A_153 : memref<128x128xf32, #tpu.memory_space<hbm>>)
      tpu.yield
    }) : () -> ()
    %mul3A_114 = arith.constant 640 : i32
    %mul3A_115 = arith.muli %arg1, %mul3A_114 : i32
    %add3A_116 = arith.constant 256 : i32
    %add3A_117 = arith.addi %mul3A_115, %add3A_116 : i32
    %mul3A_118 = arith.constant 10240 : i32
    %mul3A_119 = arith.muli %arg0, %mul3A_118 : i32
    %mul3A_120 = arith.constant 640 : i32
    %mul3A_121 = arith.muli %arg1, %mul3A_120 : i32
    %add3A_122 = arith.addi %mul3A_119, %mul3A_121 : i32
    %add3A_123 = arith.constant 256 : i32
    %add3A_124 = arith.addi %add3A_122, %add3A_123 : i32
    "tpu.region"() ({
      %run_scoped3A_147 = tpu.sem_alloc : memref<!tpu.dma_semaphore, #tpu.memory_space<semaphore_mem>>
      %dma_start3A_148 = arith.constant 0 : i32
      %dma_start3A_149 = tpu.memref_slice %arg5[%add3A_124, %dma_start3A_148] : memref<20480x128xf32, #tpu.memory_space<hbm>> -> memref<128x128xf32, #tpu.memory_space<hbm>>
      %dma_start3A_150 = arith.constant 0 : i32
      %dma_start3A_151 = tpu.memref_slice %arg10[%add3A_117, %dma_start3A_150] : memref<10240x128xf32, #tpu.memory_space<vmem_shared>> -> memref<128x128xf32, #tpu.memory_space<vmem_shared>>
      tpu.enqueue_dma source(%dma_start3A_151 : memref<128x128xf32, #tpu.memory_space<vmem_shared>>) target(%dma_start3A_149 : memref<128x128xf32, #tpu.memory_space<hbm>>) target_semaphore(%run_scoped3A_147 : memref<!tpu.dma_semaphore, #tpu.memory_space<semaphore_mem>>)
      %dma_wait3A_152 = arith.constant 0 : i32
      %dma_wait3A_153 = tpu.memref_slice %arg5[%add3A_124, %dma_wait3A_152] : memref<20480x128xf32, #tpu.memory_space<hbm>> -> memref<128x128xf32, #tpu.memory_space<hbm>>
      %dma_wait3A_154 = arith.constant 0 : i32
      %dma_wait3A_155 = tpu.memref_slice %arg10[%add3A_117, %dma_wait3A_154] : memref<10240x128xf32, #tpu.memory_space<vmem_shared>> -> memref<128x128xf32, #tpu.memory_space<vmem_shared>>
      tpu.wait_dma2 semaphore(%run_scoped3A_147 : memref<!tpu.dma_semaphore, #tpu.memory_space<semaphore_mem>>) src(%dma_wait3A_155 : memref<128x128xf32, #tpu.memory_space<vmem_shared>>) dst(%dma_wait3A_153 : memref<128x128xf32, #tpu.memory_space<hbm>>)
      tpu.yield
    }) : () -> ()
    %mul3A_125 = arith.constant 640 : i32
    %mul3A_126 = arith.muli %arg1, %mul3A_125 : i32
    %add3A_127 = arith.constant 384 : i32
    %add3A_128 = arith.addi %mul3A_126, %add3A_127 : i32
    %mul3A_129 = arith.constant 10240 : i32
    %mul3A_130 = arith.muli %arg0, %mul3A_129 : i32
    %mul3A_131 = arith.constant 640 : i32
    %mul3A_132 = arith.muli %arg1, %mul3A_131 : i32
    %add3A_133 = arith.addi %mul3A_130, %mul3A_132 : i32
    %add3A_134 = arith.constant 384 : i32
    %add3A_135 = arith.addi %add3A_133, %add3A_134 : i32
    "tpu.region"() ({
      %run_scoped3A_147 = tpu.sem_alloc : memref<!tpu.dma_semaphore, #tpu.memory_space<semaphore_mem>>
      %dma_start3A_148 = arith.constant 0 : i32
      %dma_start3A_149 = tpu.memref_slice %arg5[%add3A_135, %dma_start3A_148] : memref<20480x128xf32, #tpu.memory_space<hbm>> -> memref<128x128xf32, #tpu.memory_space<hbm>>
      %dma_start3A_150 = arith.constant 0 : i32
      %dma_start3A_151 = tpu.memref_slice %arg10[%add3A_128, %dma_start3A_150] : memref<10240x128xf32, #tpu.memory_space<vmem_shared>> -> memref<128x128xf32, #tpu.memory_space<vmem_shared>>
      tpu.enqueue_dma source(%dma_start3A_151 : memref<128x128xf32, #tpu.memory_space<vmem_shared>>) target(%dma_start3A_149 : memref<128x128xf32, #tpu.memory_space<hbm>>) target_semaphore(%run_scoped3A_147 : memref<!tpu.dma_semaphore, #tpu.memory_space<semaphore_mem>>)
      %dma_wait3A_152 = arith.constant 0 : i32
      %dma_wait3A_153 = tpu.memref_slice %arg5[%add3A_135, %dma_wait3A_152] : memref<20480x128xf32, #tpu.memory_space<hbm>> -> memref<128x128xf32, #tpu.memory_space<hbm>>
      %dma_wait3A_154 = arith.constant 0 : i32
      %dma_wait3A_155 = tpu.memref_slice %arg10[%add3A_128, %dma_wait3A_154] : memref<10240x128xf32, #tpu.memory_space<vmem_shared>> -> memref<128x128xf32, #tpu.memory_space<vmem_shared>>
      tpu.wait_dma2 semaphore(%run_scoped3A_147 : memref<!tpu.dma_semaphore, #tpu.memory_space<semaphore_mem>>) src(%dma_wait3A_155 : memref<128x128xf32, #tpu.memory_space<vmem_shared>>) dst(%dma_wait3A_153 : memref<128x128xf32, #tpu.memory_space<hbm>>)
      tpu.yield
    }) : () -> ()
    %mul3A_136 = arith.constant 640 : i32
    %mul3A_137 = arith.muli %arg1, %mul3A_136 : i32
    %add3A_138 = arith.constant 512 : i32
    %add3A_139 = arith.addi %mul3A_137, %add3A_138 : i32
    %mul3A_140 = arith.constant 10240 : i32
    %mul3A_141 = arith.muli %arg0, %mul3A_140 : i32
    %mul3A_142 = arith.constant 640 : i32
    %mul3A_143 = arith.muli %arg1, %mul3A_142 : i32
    %add3A_144 = arith.addi %mul3A_141, %mul3A_143 : i32
    %add3A_145 = arith.constant 512 : i32
    %add3A_146 = arith.addi %add3A_144, %add3A_145 : i32
    "tpu.region"() ({
      %run_scoped3A_147 = tpu.sem_alloc : memref<!tpu.dma_semaphore, #tpu.memory_space<semaphore_mem>>
      %dma_start3A_148 = arith.constant 0 : i32
      %dma_start3A_149 = tpu.memref_slice %arg5[%add3A_146, %dma_start3A_148] : memref<20480x128xf32, #tpu.memory_space<hbm>> -> memref<128x128xf32, #tpu.memory_space<hbm>>
      %dma_start3A_150 = arith.constant 0 : i32
      %dma_start3A_151 = tpu.memref_slice %arg10[%add3A_139, %dma_start3A_150] : memref<10240x128xf32, #tpu.memory_space<vmem_shared>> -> memref<128x128xf32, #tpu.memory_space<vmem_shared>>
      tpu.enqueue_dma source(%dma_start3A_151 : memref<128x128xf32, #tpu.memory_space<vmem_shared>>) target(%dma_start3A_149 : memref<128x128xf32, #tpu.memory_space<hbm>>) target_semaphore(%run_scoped3A_147 : memref<!tpu.dma_semaphore, #tpu.memory_space<semaphore_mem>>)
      %dma_wait3A_152 = arith.constant 0 : i32
      %dma_wait3A_153 = tpu.memref_slice %arg5[%add3A_146, %dma_wait3A_152] : memref<20480x128xf32, #tpu.memory_space<hbm>> -> memref<128x128xf32, #tpu.memory_space<hbm>>
      %dma_wait3A_154 = arith.constant 0 : i32
      %dma_wait3A_155 = tpu.memref_slice %arg10[%add3A_139, %dma_wait3A_154] : memref<10240x128xf32, #tpu.memory_space<vmem_shared>> -> memref<128x128xf32, #tpu.memory_space<vmem_shared>>
      tpu.wait_dma2 semaphore(%run_scoped3A_147 : memref<!tpu.dma_semaphore, #tpu.memory_space<semaphore_mem>>) src(%dma_wait3A_155 : memref<128x128xf32, #tpu.memory_space<vmem_shared>>) dst(%dma_wait3A_153 : memref<128x128xf32, #tpu.memory_space<hbm>>)
      tpu.yield
    }) : () -> ()
    return
  }
}

module attributes {stable_mosaic.version = 14 : i64} {
  func.func @body(%arg0: memref<80x128xf32, #tpu.memory_space<vmem>>, %arg1: memref<2x80x128xf32, #tpu.memory_space<vmem>>, %arg2: memref<80x128xf32, #tpu.memory_space<vmem>>, %arg3: memref<80x128xf32, #tpu.memory_space<vmem>>) attributes {dimension_semantics = [], scalar_prefetch = 0 : i64, scratch_operands = 0 : i64, tpu.core_type = #tpu.core_type<tc>} {
    %get3A = arith.constant 0 : index
    %get3A_0 = arith.constant 0 : index
    %get3A_1 = vector.load %arg0[%get3A, %get3A_0] : memref<80x128xf32, #tpu.memory_space<vmem>>, vector<80x128xf32>
    %get3A_2 = arith.constant 0 : index
    %get3A_3 = arith.constant 0 : index
    %get3A_4 = arith.constant 0 : index
    %get3A_5 = vector.load %arg1[%get3A_2, %get3A_3, %get3A_4] : memref<2x80x128xf32, #tpu.memory_space<vmem>>, vector<1x80x128xf32>
    %get3A_6 = vector.shape_cast %get3A_5 : vector<1x80x128xf32> to vector<80x128xf32>
    %get3A_7 = arith.constant 1 : index
    %get3A_8 = arith.constant 0 : index
    %get3A_9 = arith.constant 0 : index
    %get3A_10 = vector.load %arg1[%get3A_7, %get3A_8, %get3A_9] : memref<2x80x128xf32, #tpu.memory_space<vmem>>, vector<1x80x128xf32>
    %get3A_11 = vector.shape_cast %get3A_10 : vector<1x80x128xf32> to vector<80x128xf32>
    %add3A = arith.addf %get3A_6, %get3A_11 : vector<80x128xf32>
    %mul3A = arith.mulf %get3A_1, %add3A : vector<80x128xf32>
    %mul3A_12 = arith.mulf %get3A_1, %get3A_1 : vector<80x128xf32>
    %add3A_13 = arith.addf %mul3A, %mul3A_12 : vector<80x128xf32>
    %add3A_14 = arith.constant 2.000000e+00 : f32
    %add3A_15 = vector.broadcast %add3A_14 : f32 to vector<80x128xf32>
    %add3A_16 = arith.addf %add3A_13, %add3A_15 : vector<80x128xf32>
    %rsqrt3A = math.rsqrt %add3A_16 : vector<80x128xf32>
    %mul3A_17 = arith.mulf %get3A_1, %rsqrt3A : vector<80x128xf32>
    %swap3A = arith.constant 0 : index
    %swap3A_18 = arith.constant 0 : index
    %swap3A_19 = vector.load %arg2[%swap3A, %swap3A_18] : memref<80x128xf32, #tpu.memory_space<vmem>>, vector<80x128xf32>
    tpu.vector_store %arg2[%swap3A, %swap3A_18], %mul3A_17 {strides = array<i32>} : memref<80x128xf32, #tpu.memory_space<vmem>>, vector<80x128xf32>,
    %mul3A_20 = arith.mulf %mul3A_17, %mul3A_17 : vector<80x128xf32>
    %mul3A_21 = arith.constant 2.000000e+00 : f32
    %mul3A_22 = vector.broadcast %mul3A_21 : f32 to vector<80x128xf32>
    %mul3A_23 = arith.mulf %mul3A_22, %rsqrt3A : vector<80x128xf32>
    %mul3A_24 = arith.mulf %mul3A_23, %rsqrt3A : vector<80x128xf32>
    %add3A_25 = arith.addf %mul3A_20, %mul3A_24 : vector<80x128xf32>
    %div3A = arith.divf %add3A_25, %mul3A_17 : vector<80x128xf32>
    %swap3A_26 = arith.constant 0 : index
    %swap3A_27 = arith.constant 0 : index
    %swap3A_28 = vector.load %arg3[%swap3A_26, %swap3A_27] : memref<80x128xf32, #tpu.memory_space<vmem>>, vector<80x128xf32>
    tpu.vector_store %arg3[%swap3A_26, %swap3A_27], %div3A {strides = array<i32>} : memref<80x128xf32, #tpu.memory_space<vmem>>, vector<80x128xf32>,
    return
  }
}

module attributes {stable_mosaic.version = 14 : i64} {
  func.func @body(%arg0: memref<10000x128xf32, #tpu.memory_space<vmem>>, %arg1: memref<128x128xf32, #tpu.memory_space<vmem>>, %arg2: memref<10240x1xf32, #tpu.memory_space<vmem>>, %arg3: memref<10240x128xf32, #tpu.memory_space<vmem>>) attributes {dimension_semantics = [], scalar_prefetch = 0 : i64, scratch_operands = 0 : i64, tpu.core_type = #tpu.core_type<tc>} {
    %get3A = arith.constant 0 : index
    %get3A_0 = arith.constant 0 : index
    %get3A_1 = vector.load %arg0[%get3A, %get3A_0] : memref<10000x128xf32, #tpu.memory_space<vmem>>, vector<10000x128xf32>
    %get3A_2 = arith.constant 0 : index
    %get3A_3 = arith.constant 0 : index
    %get3A_4 = vector.load %arg1[%get3A_2, %get3A_3] : memref<128x128xf32, #tpu.memory_space<vmem>>, vector<128x128xf32>
    %dot_general3A = arith.constant dense<0.000000e+00> : vector<10000x128xf32>
    %dot_general3A_5 = tpu.matmul %get3A_1, %get3A_4, %dot_general3A {dimension_numbers = #tpu.dot_dimension_numbers<[1], [1], [0], [0], [0, 0, 1, 0], [], []>, precision = #tpu.contract_precision<fp32>, transpose_lhs_hint = false} : vector<10000x128xf32>, vector<128x128xf32>, vector<10000x128xf32> -> vector<10000x128xf32>
    %get3A_6 = arith.constant 0 : index
    %get3A_7 = arith.constant 0 : index
    %get3A_8 = vector.load %arg2[%get3A_6, %get3A_7] : memref<10240x1xf32, #tpu.memory_space<vmem>>, vector<10000x1xf32>
    %mul3A = vector.broadcast %get3A_8 : vector<10000x1xf32> to vector<10000x128xf32>
    %mul3A_9 = arith.mulf %dot_general3A_5, %mul3A : vector<10000x128xf32>
    %swap3A = arith.constant 0 : index
    %swap3A_10 = arith.constant 0 : index
    %swap3A_11 = vector.load %arg3[%swap3A, %swap3A_10] : memref<10240x128xf32, #tpu.memory_space<vmem>>, vector<10000x128xf32>
    tpu.vector_store %arg3[%swap3A, %swap3A_10], %mul3A_9 {strides = array<i32>} : memref<10240x128xf32, #tpu.memory_space<vmem>>, vector<10000x128xf32>,
    %broadcast_in_dim3A = arith.constant 0.000000e+00 : f32
    %broadcast_in_dim3A_12 = vector.broadcast %broadcast_in_dim3A : f32 to vector<240x128xf32>
    %swap3A_13 = arith.constant 10000 : index
    %swap3A_14 = arith.constant 0 : index
    %swap3A_15 = vector.load %arg3[%swap3A_13, %swap3A_14] : memref<10240x128xf32, #tpu.memory_space<vmem>>, vector<240x128xf32>
    tpu.vector_store %arg3[%swap3A_13, %swap3A_14], %broadcast_in_dim3A_12 {strides = array<i32>} : memref<10240x128xf32, #tpu.memory_space<vmem>>, vector<240x128xf32>,
    return
  }
}

module attributes {stable_mosaic.version = 14 : i64} {
  func.func @body(%arg0: memref<20480x128xf32, #tpu.memory_space<vmem>>, %arg1: memref<10240x128xf32, #tpu.memory_space<vmem>>, %arg2: memref<10000x128xf32, #tpu.memory_space<vmem>>, %arg3: memref<10240x1xf32, #tpu.memory_space<vmem>>, %arg4: memref<10240x1xf32, #tpu.memory_space<vmem>>, %arg5: memref<1x128xf32, #tpu.memory_space<vmem>>, %arg6: memref<1x128xf32, #tpu.memory_space<vmem>>, %arg7: memref<1x128xf32, #tpu.memory_space<vmem>>, %arg8: memref<10000x128xf32, #tpu.memory_space<vmem>>) attributes {dimension_semantics = [], scalar_prefetch = 0 : i64, scratch_operands = 0 : i64, tpu.core_type = #tpu.core_type<tc>} {
    %get3A = arith.constant 0 : index
    %get3A_0 = arith.constant 0 : index
    %get3A_1 = vector.load %arg0[%get3A, %get3A_0] : memref<20480x128xf32, #tpu.memory_space<vmem>>, vector<10000x128xf32>
    %get3A_2 = arith.constant 10240 : index
    %get3A_3 = arith.constant 0 : index
    %get3A_4 = vector.load %arg0[%get3A_2, %get3A_3] : memref<20480x128xf32, #tpu.memory_space<vmem>>, vector<10000x128xf32>
    %add3A = arith.addf %get3A_1, %get3A_4 : vector<10000x128xf32>
    %get3A_5 = arith.constant 0 : index
    %get3A_6 = arith.constant 0 : index
    %get3A_7 = vector.load %arg3[%get3A_5, %get3A_6] : memref<10240x1xf32, #tpu.memory_space<vmem>>, vector<10000x1xf32>
    %mul3A = vector.broadcast %get3A_7 : vector<10000x1xf32> to vector<10000x128xf32>
    %mul3A_8 = arith.mulf %mul3A, %add3A : vector<10000x128xf32>
    %get3A_9 = arith.constant 0 : index
    %get3A_10 = arith.constant 0 : index
    %get3A_11 = vector.load %arg4[%get3A_9, %get3A_10] : memref<10240x1xf32, #tpu.memory_space<vmem>>, vector<10000x1xf32>
    %get3A_12 = arith.constant 0 : index
    %get3A_13 = arith.constant 0 : index
    %get3A_14 = vector.load %arg1[%get3A_12, %get3A_13] : memref<10240x128xf32, #tpu.memory_space<vmem>>, vector<10000x128xf32>
    %mul3A_15 = vector.broadcast %get3A_11 : vector<10000x1xf32> to vector<10000x128xf32>
    %mul3A_16 = arith.mulf %mul3A_15, %get3A_14 : vector<10000x128xf32>
    %add3A_17 = arith.addf %mul3A_8, %mul3A_16 : vector<10000x128xf32>
    %get3A_18 = arith.constant 0 : index
    %get3A_19 = arith.constant 0 : index
    %get3A_20 = vector.load %arg5[%get3A_18, %get3A_19] : memref<1x128xf32, #tpu.memory_space<vmem>>, vector<1x128xf32>
    %add3A_21 = vector.broadcast %get3A_20 : vector<1x128xf32> to vector<10000x128xf32>
    %add3A_22 = arith.addf %add3A_17, %add3A_21 : vector<10000x128xf32>
    %reduce_sum3A = arith.constant dense<0.000000e+00> : vector<128xf32>
    %reduce_sum3A_23 = vector.multi_reduction <add>, %add3A_22, %reduce_sum3A [0] : vector<10000x128xf32> to vector<128xf32>
    %broadcast_in_dim3A = vector.shape_cast %reduce_sum3A_23 : vector<128xf32> to vector<1x128xf32>
    %div3A = arith.constant 1.000000e+04 : f32
    %div3A_24 = vector.broadcast %div3A : f32 to vector<1x128xf32>
    %div3A_25 = arith.divf %broadcast_in_dim3A, %div3A_24 : vector<1x128xf32>
    %sub3A = vector.broadcast %div3A_25 : vector<1x128xf32> to vector<10000x128xf32>
    %sub3A_26 = arith.subf %add3A_22, %sub3A : vector<10000x128xf32>
    %integer_pow3A = arith.mulf %sub3A_26, %sub3A_26 : vector<10000x128xf32>
    %reduce_sum3A_27 = arith.constant dense<0.000000e+00> : vector<128xf32>
    %reduce_sum3A_28 = vector.multi_reduction <add>, %integer_pow3A, %reduce_sum3A_27 [0] : vector<10000x128xf32> to vector<128xf32>
    %broadcast_in_dim3A_29 = vector.shape_cast %reduce_sum3A_28 : vector<128xf32> to vector<1x128xf32>
    %div3A_30 = arith.constant 1.000000e+04 : f32
    %div3A_31 = vector.broadcast %div3A_30 : f32 to vector<1x128xf32>
    %div3A_32 = arith.divf %broadcast_in_dim3A_29, %div3A_31 : vector<1x128xf32>
    %sub3A_33 = vector.broadcast %div3A_25 : vector<1x128xf32> to vector<10000x128xf32>
    %sub3A_34 = arith.subf %add3A_22, %sub3A_33 : vector<10000x128xf32>
    %add3A_35 = arith.constant 9.99999974E-6 : f32
    %add3A_36 = vector.broadcast %add3A_35 : f32 to vector<1x128xf32>
    %add3A_37 = arith.addf %div3A_32, %add3A_36 : vector<1x128xf32>
    %rsqrt3A = math.rsqrt %add3A_37 : vector<1x128xf32>
    %mul3A_38 = vector.broadcast %rsqrt3A : vector<1x128xf32> to vector<10000x128xf32>
    %mul3A_39 = arith.mulf %sub3A_34, %mul3A_38 : vector<10000x128xf32>
    %get3A_40 = arith.constant 0 : index
    %get3A_41 = arith.constant 0 : index
    %get3A_42 = vector.load %arg6[%get3A_40, %get3A_41] : memref<1x128xf32, #tpu.memory_space<vmem>>, vector<1x128xf32>
    %mul3A_43 = vector.broadcast %get3A_42 : vector<1x128xf32> to vector<10000x128xf32>
    %mul3A_44 = arith.mulf %mul3A_39, %mul3A_43 : vector<10000x128xf32>
    %get3A_45 = arith.constant 0 : index
    %get3A_46 = arith.constant 0 : index
    %get3A_47 = vector.load %arg7[%get3A_45, %get3A_46] : memref<1x128xf32, #tpu.memory_space<vmem>>, vector<1x128xf32>
    %add3A_48 = vector.broadcast %get3A_47 : vector<1x128xf32> to vector<10000x128xf32>
    %add3A_49 = arith.addf %mul3A_44, %add3A_48 : vector<10000x128xf32>
    %gt3A = arith.constant 0.000000e+00 : f32
    %gt3A_50 = vector.broadcast %gt3A : f32 to vector<10000x128xf32>
    %gt3A_51 = arith.cmpf ogt, %add3A_49, %gt3A_50 : vector<10000x128xf32>
    %mul3A_52 = arith.constant 1.000000e-01 : f32
    %mul3A_53 = vector.broadcast %mul3A_52 : f32 to vector<10000x128xf32>
    %mul3A_54 = arith.mulf %mul3A_53, %add3A_49 : vector<10000x128xf32>
    %select_n3A = arith.select %gt3A_51, %add3A_49, %mul3A_54 : vector<10000x128xi1>, vector<10000x128xf32>
    %get3A_55 = arith.constant 0 : index
    %get3A_56 = arith.constant 0 : index
    %get3A_57 = vector.load %arg2[%get3A_55, %get3A_56] : memref<10000x128xf32, #tpu.memory_space<vmem>>, vector<10000x128xf32>
    %add3A_58 = arith.addf %select_n3A, %get3A_57 : vector<10000x128xf32>
    %gt3A_59 = arith.constant 0.000000e+00 : f32
    %gt3A_60 = vector.broadcast %gt3A_59 : f32 to vector<10000x128xf32>
    %gt3A_61 = arith.cmpf ogt, %add3A_58, %gt3A_60 : vector<10000x128xf32>
    %mul3A_62 = arith.constant 1.000000e-01 : f32
    %mul3A_63 = vector.broadcast %mul3A_62 : f32 to vector<10000x128xf32>
    %mul3A_64 = arith.mulf %mul3A_63, %add3A_58 : vector<10000x128xf32>
    %select_n3A_65 = arith.select %gt3A_61, %add3A_58, %mul3A_64 : vector<10000x128xi1>, vector<10000x128xf32>
    %swap3A = arith.constant 0 : index
    %swap3A_66 = arith.constant 0 : index
    %swap3A_67 = vector.load %arg8[%swap3A, %swap3A_66] : memref<10000x128xf32, #tpu.memory_space<vmem>>, vector<10000x128xf32>
    tpu.vector_store %arg8[%swap3A, %swap3A_66], %select_n3A_65 {strides = array<i32>} : memref<10000x128xf32, #tpu.memory_space<vmem>>, vector<10000x128xf32>,
    return
  }
}

</mosaic_0001>

<sc_bundles>
// kernel: kernel.10.cloned.1.call-start
scs
__scs_entry_jumppad:
0x0: {  	(pc) =	sbr.rel $0x88, $3  }
0x1: {  	(tag) =	ssettag $0x0;
	lr =	simm.s32 $0x1  }
0x2: {  	[smem:$0x3F9B] =	sst lr;
	_ =	strace $0xD0000000  }
0x3: {  	_ = 	snop  }
0x4: {  	_ = 	snop  }
0x5: {  	_ = 	snop  }
0x6: {  	_ = 	snop  }
0x7: {  	_ = 	snop  }
__scs_overlays_trampoline_lowered:
0x8: {  	[smem:$0x3FAA] =	sst s0  }
0x9: {  	[smem:$0x3FAB] =	sst s1  }
0xa: {  	[smem:$0x3FAC] =	sst s2  }
0xb: {  	[smem:$0x3FAD] =	sst s3  }
0xc: {  	[smem:$0x3FAE] =	sst s4  }
0xd: {  	[smem:$0x3FAF] =	sst s5  }
0xe: {  	[smem:$0x3FB0] =	sst s6  }
0xf: {  	[smem:$0x3FB1] =	sst s7  }
0x10: {  	[smem:$0x3FB2] =	sst s8  }
0x11: {  	[smem:$0x3FB3] =	sst s9;
	s0 =	simm.s32 @!p0 $0x0  }
0x12: {  	s1 =	sld [smem:$0x3F99];
	s0 =	simm.s32 @p0 $0x1  }
0x13: {  	[smem:$0x3FB4] =	sst s0;
	s0 =	simm.s32 @!p1 $0x0  }
0x14: {  	s2 =	sld [smem:$0x3F98];
	s0 =	simm.s32 @p1 $0x1  }
0x15: {  	[smem:$0x3FB5] =	sst s0;
	s0 =	simm.s32 @!p2 $0x0  }
0x16: {  	s3 =	sld [smem:$0x3FDB];
	s0 =	simm.s32 @p2 $0x1  }
0x17: {  	s4 =	simm.s32 $0x1BF5;
	[smem:$0x3FB7] =	sst s0  }
0x18: {  	s0 =	sld [smem:$0x3F9A];
	_ =	swait.ge [sflag:s4], $0x0  }
0x19: {  	s7 =	sld [smem:$0x3F9B]  }
0x1a: {  	s8 =	sadd.s32 $0xFFFFE003, lr  }
0x1b: {  	s9 =	sadd.s32 $0xFFFFFEF7, lr;
	s5 =	simm.s32 $0xFFFFFFFF;
	p2 =	slt.u32 s8, $0xFFFFF086  }
0x1c: {  	p1 =	slt.u32 s9, $0xF7A;
	s5 =	simm.s32 @!p2 $0x0  }
0x1d: {  	s5 =	simm.s32 @p1 $0x1;
	p0 =	seq.s32 s7, s2  }
0x1e: {  	s7 =	smul.u32 @!p0 $0xF7A, s2;
	p2 =	seq.s32 @!p0 s5, $0x0  }
0x1f: {  	s9 =	smul.u32 $0xF7A, s1;
	s8 =	simm.s32 @!p0 $0x1BF5;
	p2 =	por !p2, p0  }
0x20: {  	[sflag:s8] =	ssyncset.s32 @!p0 $0xFFFFF086;
	s6 =	sadd.s32 @!p0 s3, s7;
	s7 =	simm.s32 @!p0 $0x108  }
0x21: {  	s3 =	sadd.s32 s3, s9;
	s6 =	sadd.s32 @!p0 $0x88, s6;
	s7 =	simm.s32 @p2 $0x1082  }
0x22: {  	[simem:s7], [sflag:s8] =	dma.local @!p0 [hbm:s6], $0xF7A  }
0x23: {  	s9 =	sor.u32 $0xD0000000, s2;
	s6 =	simm.s32 $0x108;
	_ =	swait.ge @!p0 [sflag:s8], $0x0  }
0x24: {  	s3 =	sadd.s32 $0x88, s3;
	s6 =	simm.s32 @!p1 $0x1082;
	[sflag:s4] =	ssyncset.s32 $0xFFFFF086  }
0x25: {  	[simem:s6], [sflag:s4] =	dma.local [hbm:s3], $0xF7A  }
0x26: {  	[smem:$0x3F9B] =	sst s1;
	(tag) =	ssettag s2;
	_ =	strace s9  }
0x27: {  	s1 =	sld [smem:$0x3FAB]  }
0x28: {  	s2 =	sld [smem:$0x3FAC]  }
0x29: {  	s4 =	sld [smem:$0x3FAE]  }
0x2a: {  	p0 =	seq.s32 s5, $0x0;
	s5 =	sld [smem:$0x3FAF]  }
0x2b: {  	s6 =	sld [smem:$0x3FB0]  }
0x2c: {  	s7 =	sld [smem:$0x3FB1]  }
0x2d: {  	s3 =	simm.s32 $0x108;
	s8 =	sld [smem:$0x3FB2]  }
0x2e: {  	s3 =	simm.s32 @!p0 $0x1082;
	s9 =	sld [smem:$0x3FB3]  }
0x2f: {  	lr =	sadd.s32 s0, s3;
	s0 =	sld [smem:$0x3FAA]  }
0x30: {  	s3 =	sld [smem:$0x3FAD]  }
0x31: {  	[smem:$0x3FB6] =	sst s10  }
0x32: {  	s10 =	sld [smem:$0x3FB4];
	_ =	sdelay $0x3  }
0x33: {  	p0 =	seq.s32 s10, $0x1;
	s10 =	sld [smem:$0x3FB6];
	_ =	sdelay $0x3  }
0x34: {  	[smem:$0x3FB6] =	sst s10  }
0x35: {  	s10 =	sld [smem:$0x3FB5];
	_ =	sdelay $0x3  }
0x36: {  	p1 =	seq.s32 s10, $0x1;
	s10 =	sld [smem:$0x3FB6];
	_ =	sdelay $0x3  }
0x37: {  	[smem:$0x3FB6] =	sst s10  }
0x38: {  	s10 =	sld [smem:$0x3FB7]  }
0x39: {  	_ = 	snop;
	(pc) =	sbr.ind lr, $3  }
0x3a: {  	_ = 	snop  }
0x3b: {  	_ = 	snop  }
0x3c: {  	p2 =	seq.s32 s10, $0x1;
	s10 =	sld [smem:$0x3FB6]  }
0x3d: {  	_ =	shalt  }
0x3e: {  	_ =	shalt  }
0x3f: {  	_ =	shalt  }
0x40: {  	_ =	shalt  }
0x41: {  	_ =	shalt  }
0x42: {  	_ =	shalt  }
0x43: {  	_ =	shalt  }
0x44: {  	_ =	shalt  }
0x45: {  	_ =	shalt  }
0x46: {  	_ =	shalt  }
0x47: {  	_ =	shalt  }
0x48: {  	_ =	shalt  }
0x49: {  	_ =	shalt  }
0x4a: {  	_ =	shalt  }
0x4b: {  	_ =	shalt  }
0x4c: {  	_ =	shalt  }
0x4d: {  	_ =	shalt  }
0x4e: {  	_ =	shalt  }
0x4f: {  	_ =	shalt  }
0x50: {  	_ =	shalt  }
0x51: {  	_ =	shalt  }
0x52: {  	_ =	shalt  }
0x53: {  	_ =	shalt  }
0x54: {  	_ =	shalt  }
0x55: {  	_ =	shalt  }
0x56: {  	_ =	shalt  }
0x57: {  	_ =	shalt  }
0x58: {  	_ =	shalt  }
0x59: {  	_ =	shalt  }
0x5a: {  	_ =	shalt  }
0x5b: {  	_ =	shalt  }
0x5c: {  	_ =	shalt  }
0x5d: {  	_ =	shalt  }
0x5e: {  	_ =	shalt  }
0x5f: {  	_ =	shalt  }
0x60: {  	_ =	shalt  }
0x61: {  	_ =	shalt  }
0x62: {  	_ =	shalt  }
0x63: {  	_ =	shalt  }
0x64: {  	_ =	shalt  }
0x65: {  	_ =	shalt  }
0x66: {  	_ =	shalt  }
0x67: {  	_ =	shalt  }
0x68: {  	_ =	shalt  }
0x69: {  	_ =	shalt  }
0x6a: {  	_ =	shalt  }
0x6b: {  	_ =	shalt  }
0x6c: {  	_ =	shalt  }
0x6d: {  	_ =	shalt  }
0x6e: {  	_ =	shalt  }
0x6f: {  	_ =	shalt  }
0x70: {  	_ =	shalt  }
0x71: {  	_ =	shalt  }
0x72: {  	_ =	shalt  }
0x73: {  	_ =	shalt  }
0x74: {  	_ =	shalt  }
0x75: {  	_ =	shalt  }
0x76: {  	_ =	shalt  }
0x77: {  	_ =	shalt  }
0x78: {  	_ =	shalt  }
0x79: {  	_ =	shalt  }
0x7a: {  	_ =	shalt  }
0x7b: {  	_ =	shalt  }
0x7c: {  	_ =	shalt  }
0x7d: {  	_ =	shalt  }
0x7e: {  	_ =	shalt  }
0x7f: {  	_ =	shalt  }
0x80: {  	_ =	shalt  }
0x81: {  	_ =	shalt  }
0x82: {  	_ =	shalt  }
0x83: {  	_ =	shalt  }
0x84: {  	_ =	shalt  }
0x85: {  	_ =	shalt  }
0x86: {  	_ =	shalt  }
0x87: {  	_ =	shalt  }
.Lfunc_end0:
.L_simem_size_0:
called_computation.1_lowered:
.L_overlay_start_0:
0x88: {  	s2 =	sld [smem:$0x3FD9]  }
0x89: {  	s3 =	sld [smem:$0x3FFE];
	_ =	sdelay $0x1  }
0x8a: {  	s1 =	srdreg.scid  }
0x8b: {  	s0 =	sand.u32 $0x1, s1  }
0x8c: {  	s16 =	sshll.u32 s0, $0xA;
	s2 =	sadd.s32 s3, s2  }
0x8d: {  	s2 =	sadd.s32 s2, s16  }
0x8e: {  	[smem:$0x3FC2] =	sst s2  }
0x8f: {  	_ = 	snop  }
0x90: {  	(tm) =	ssettm $0x1  }
0x91: {  	s17 =	sld [smem:$0x3FFB];
	_ =	sdelay $0x3  }
0x92: {  	_ =	strace s17  }
0x93: {  	s2 =	sld [smem:$0x3FFC];
	_ =	sdelay $0x3  }
0x94: {  	_ =	strace s2  }
0x95: {  	s2 =	sld [smem:$0x3FFD];
	_ =	sdelay $0x3  }
0x96: {  	_ =	strace s2  }
0x97: {  	_ =	strace $0x8FFFFFFF  }
0x98: {  	s18 =	sld [smem:$0x3FDB];
	_ =	sdelay $0x1  }
0x99: {  	s19 =	simm.s32 $_scs_section_size  }
0x9a: {  	s4 =	simm.s32 $_size__tile_overlayer_lowered;
	s5 =	simm.s32 $_tile_overlayer_lowered  }
0x9b: {  	s22 =	simm.s32 $0x1BFF;
	s21 =	sshll.u32 s5, $0x1;
	s2 =	sadd.s32 s19, s18  }
0x9c: {  	s6 =	simm.s32 $0x0;
	s20 =	sshll.u32 s4, $0x1;
	s4 =	sadd.s32 s21, s2  }
0x9d: {  	[timem:s6], [sflag:s22] =	dma.local [hbm:s4], s20  }
0x9e: {  	_ =	swait.ge [sflag:s22], s20  }
0x9f: {  	s3 =	ssub.s32 $0x0, s20;
	[sflag:s22] =	ssyncset.done $0x0  }
0xa0: {  	[sflag:s22] =	ssyncadd.s32 s3;
	_ =	sdelay $0x1  }
0xa1: {  	s23 =	simm.s32 $0x1B8B  }
0xa2: {  	_ =	swait.ge [sflag:s23], $0x1  }
0xa3: {  	[sflag:s23] =	ssyncset.done $0x0  }
0xa4: {  	s25 =	simm.s32 $0x1B8E;
	s24 =	sld [smem:$0x3FFE];
	[sflag:s23] =	ssyncadd.s32 $0xFFFFFFFF  }
0xa5: {  	s26 =	simm.s32 $execute0_lowered;
	[smem:$0x3FD2] =	sst s25  }
0xa6: {  	s4 =	sshll.u32 s26, $0x1;
	_ =	strace $0x80000049;
	[dreg:$0x1] =	wrdreg $0xFFFFFFFF  }
0xa7: {  	s28 =	simm.s32 $_size_execute0_lowered;
	s2 =	sadd.s32 s2, s4;
	[dreg:$0x0] =	wrdreg $0x0  }
0xa8: {  	s4 =	sshll.u32 s28, $0x1;
	[dreg:$0x2] =	wrdreg s2  }
0xa9: {  	[dreg:$0x3] =	wrdreg s4  }
0xaa: {  	[dreg:$0x4] =	wrdreg $0xC0  }
0xab: {  	_ =	task [dreg:s6], $0x5FFFF  }
0xac: {  	[dreg:$0x1] =	wrdreg $0xFFFFFFFF  }
0xad: {  	[dreg:$0x0] =	wrdreg $0x60  }
0xae: {  	[dreg:$0x2] =	wrdreg s24  }
0xaf: {  	[dreg:$0x3] =	wrdreg $0xA8000  }
0xb0: {  	[dreg:$0x4] =	wrdreg $0x9  }
0xb1: {  	_ =	task.clear_ibuf [dreg:s6], $0x5FFFF;
	_ =	strace $0x90000049  }
0xb2: {  	s29 =	simm.s32 $0x9;
	_ =	strace $0x8000004B  }
0xb3: {  	_ =	swait.ge [sflag:s29], $0x1  }
0xb4: {  	[sflag:s29] =	ssyncadd.s32 $0xFFFFFFFF  }
0xb5: {  	_ =	strace $0x9000004B  }
0xb6: {  	_ =	sfence  }
0xb7: {  	s30 =	sld [smem:$0x0];
	_ =	sdelay $0x2  }
0xb8: {  	s31 =	sshll.u32 s1, $0xD;
	s1 =	sshrl.u32 s1, $0x2  }
0xb9: {  	s3 =	sand.u32 $0x4000, s31;
	s1 =	sadd.s32 s1, s30  }
0xba: {  	s0 =	sor.u32 s3, s0;
	s1 =	sshll.u32 s1, $0x11  }
0xbb: {  	s0 =	sor.u32 s1, s0  }
0xbc: {  	s0 =	sadd.s32 $0x8F2B, s0  }
0xbd: {  	[sflag:s0] =	ssyncadd.remote.s32 $0x1  }
0xbe: {  	_ =	sfence.sel $0xFFFF  }
0xbf: {  	[dreg:$0x0] =	wrdreg $0xFFFFFFFF;
	(pc) =	sbr.abs _section_cstart, $3  }
0xc0: {  	[dreg:$0x1] =	wrdreg $0xFFFFFFFF  }
0xc1: {  	_ =	task.clear_ibuf [dreg:s6], $0x2FFFF;
	_ =	strace $0x9FFFFFFF  }
0xc2: {  	(tm) =	ssettm $0x7FFFFFFF  }
0xc3: {  	_ =	shalt  }
tec
execute0_lowered:
.L_overlay_start_1:
0x0: {  	(tag) =	ssettag $0x1  }
0x1: {  	s0 =	rddreg [dreg:$0x0]  }
0x2: {  	s1 =	srdreg.scid;
	s7 =	stileid.u32  }
0x3: {  	s2 =	rddreg [dreg:$0x1];
	s3 =	simm.s32 $0x0;
	s20 =	simm.s32 $0x2800  }
0x4: {  	s21 =	simm.s32 $0x3;
	s28 =	simm.s32 $0x2600;
	s29 =	simm.s32 $0x1300  }
0x5: {  	s30 =	simm.s32 $0x2680;
	s31 =	simm.s32 $0x1380;
	s1 =	sand.u32 $0x1, s1  }
0x6: {  	s4 =	smul.u32 $0x280, s7;
	[smem:$0x7FF] =	sst s3;
	s10 =	sadd.s32 $0xC600, s0  }
0x7: {  	s11 =	sadd.s32 $0x2600, s0;
	s6 =	smul.u32 $0x50000, s7;
	s22 =	sshll.u32 s7, $0x1  }
0x8: {  	s5 =	smul.u32 $0x2800, s1;
	_ =	strace $0x8000004A;
	s23 =	ssub.s32 $0x2, s1  }
0x9: {  	s1 =	sor.u32 s1, s22;
	s22 =	simm.s32 $0x1400;
	s24 =	sshrl.u32 s6, $0x2  }
0xa: {  	s25 =	sshrl.u32 s23, $0x1;
	s1 =	smul.u32 $0x2800, s1;
	s4 =	sadd.s32 s4, s5  }
0xb: {  	s19 =	ssub.s32 s23, s25;
	s23 =	simm.s32 $0x80;
	s25 =	simm.s32 $0x1  }
0xc: {  	s5 =	sshll.u32 s4, $0x4;
	s4 =	sadd.s32 $0x16600, s0;
	s1 =	sshrl.u32 s1, $0x3  }
0xd: {  	s19 =	smax.u32 s19, $0x1;
	s0 =	sadd.s32 s5, s0;
	s5 =	sadd.s32 s24, s2  }
0xe: {  	s12 =	sadd.s32 s10, s1;
	s26 =	sadd.s32 s11, s1;
	s1 =	sadd.s32 $0x280, s1  }
0xf: {  	s24 =	simm.s32 $0x6800;
	s6 =	sadd.s32 $0x4000, s5;
	s7 =	sadd.s32 $0x8000, s5  }
0x10: {  	s8 =	sadd.s32 $0xC000, s5;
	s9 =	sadd.s32 $0x10000, s5;
	[dreg:$0x3] =	wrdreg s12  }
0x11: {  	[dreg:$0x4] =	wrdreg s26;
	s10 =	sadd.s32 s10, s1;
	s13 =	sadd.s32 s11, s1  }
0x12: {  	s14 =	sadd.s32 $0x3E600, s0;
	s15 =	sadd.s32 $0x3EE00, s0;
	s16 =	sadd.s32 $0x3F600, s0  }
0x13: {  	s17 =	sadd.s32 $0x3FE00, s0;
	s18 =	sadd.s32 $0x40600, s0;
	s26 =	simm.s32 $0x2  }
0x14: {  	v0 =	vimm.f32 $0.0e+00;
	s1 =	simm.s32 $0x2700;
	s0 =	simm.s32 $0x2780;
	[dreg:$0x5] =	wrdreg s10  }
.LBB2_1:
0x15: {  	s10 =	simm.s32 $0x0;
	s11 =	simm.s32 $0x200  }
.LBB2_2:
0x16: {  	p0 =	sne.s32 s11, $0xFE00;
	[tilespmem:s10+$0x2870] =	vst v0  }
0x17: {  	[tilespmem:s10+$0x2800] =	vst v0  }
0x18: {  	[tilespmem:s10+$0x2810] =	vst v0  }
.Ltmp0:
0x19: {  	[tilespmem:s10+$0x2820] =	vst v0;
	(pc) =	sbr.rel @p0 .LBB2_2-.Ltmp0, $4  }
0x1a: {  	[tilespmem:s10+$0x2830] =	vst v0  }
0x1b: {  	[tilespmem:s10+$0x2840] =	vst v0  }
0x1c: {  	[tilespmem:s10+$0x2850] =	vst v0  }
0x1d: {  	[tilespmem:s10+$0x2860] =	vst v0;
	s10 =	sshra.s32 s11, $0x2;
	s11 =	sadd.s32 $0x200, s11  }
0x1e: {  	[tilespmem:s10+$0x2870] =	vst v0  }
0x1f: {  	[tilespmem:s10+$0x2800] =	vst v0  }
0x20: {  	[tilespmem:s10+$0x2810] =	vst v0  }
0x21: {  	[tilespmem:s10+$0x2820] =	vst v0  }
0x22: {  	[tilespmem:s10+$0x2830] =	vst v0  }
0x23: {  	[tilespmem:s10+$0x2840] =	vst v0  }
0x24: {  	[tilespmem:s10+$0x2850] =	vst v0  }
0x25: {  	[tilespmem:s10+$0x2860] =	vst v0  }
0x26: {  	[spmem:s5] =	stream.linear.scatter [tilespmem:s20], [sflag:$0x3], $0x4000, $0x38;
	[tilespmem:$0x1E800] =	vst v63  }
0x27: {  	_ =	swait.ge [sflag:s21], $0x4000  }
0x28: {  	[sflag:s21] =	ssyncset.done $0x0  }
0x29: {  	[sflag:s21] =	ssyncadd.s32 $0xFFFFC000  }
0x2a: {  	[spmem:s6] =	stream.linear.scatter [tilespmem:s20], [sflag:$0x3], $0x4000, $0x38;
	[tilespmem:$0x1E800] =	vst v63  }
0x2b: {  	_ =	swait.ge [sflag:s21], $0x4000  }
0x2c: {  	[sflag:s21] =	ssyncset.done $0x0  }
0x2d: {  	[sflag:s21] =	ssyncadd.s32 $0xFFFFC000  }
0x2e: {  	[spmem:s7] =	stream.linear.scatter [tilespmem:s20], [sflag:$0x3], $0x4000, $0x38;
	[tilespmem:$0x1E800] =	vst v63  }
0x2f: {  	_ =	swait.ge [sflag:s21], $0x4000  }
0x30: {  	[sflag:s21] =	ssyncset.done $0x0  }
0x31: {  	[sflag:s21] =	ssyncadd.s32 $0xFFFFC000  }
0x32: {  	[spmem:s8] =	stream.linear.scatter [tilespmem:s20], [sflag:$0x3], $0x4000, $0x38;
	[tilespmem:$0x1E800] =	vst v63  }
0x33: {  	_ =	swait.ge [sflag:s21], $0x4000  }
0x34: {  	[sflag:s21] =	ssyncset.done $0x0  }
0x35: {  	[sflag:s21] =	ssyncadd.s32 $0xFFFFC000  }
0x36: {  	[spmem:s9] =	stream.linear.scatter [tilespmem:s20], [sflag:$0x3], $0x4000, $0x38;
	[tilespmem:$0x1E800] =	vst v63  }
0x37: {  	_ =	swait.ge [sflag:s21], $0x4000  }
0x38: {  	[sflag:s21] =	ssyncset.done $0x0  }
0x39: {  	[sflag:s21] =	ssyncadd.s32 $0xFFFFC000  }
0x3a: {  	[bflag:$0x0] =	sbarrier.arrive $0xFFFF  }
0x3b: {  	s10 =	simm.s32 $0x0;
	s11 =	rddreg [dreg:$0x3]  }
0x3c: {  	[tilespmem:s10], [sflag:$0x3] =	stream.linear.gather [hbm4b:s11+s10], $0x1400, $0x38;
	[tilespmem:$0x1E800] =	vst v63  }
0x3d: {  	_ =	swait.ge [sflag:s21], $0x1400  }
0x3e: {  	[sflag:s21] =	ssyncset.done $0x0  }
0x3f: {  	s12 =	rddreg [dreg:$0x4];
	[sflag:s21] =	ssyncadd.s32 $0xFFFFEC00  }
0x40: {  	[tilespmem:s22], [sflag:$0x3] =	stream.linear.gather [hbm4b:s12+s10], $0x1400, $0x38;
	[tilespmem:$0x1E800] =	vst v63  }
0x41: {  	_ =	swait.ge [sflag:s21], $0x1400  }
0x42: {  	[sflag:s21] =	ssyncset.done $0x0  }
0x43: {  	[sflag:s21] =	ssyncadd.s32 $0xFFFFEC00  }
0x44: {  	[tilespmem:s20], [sflag:$0x1] =	stream.indirect.gather [hbm4b:s4+s23], $0x80, s10, s23, $0xb8;
	[tilespmem:$0x1E800] =	vst v63  }
0x45: {  	_ = 	snop  }
0x46: {  	[tilespmem:s24], [sflag:$0x2] =	stream.indirect.gather [hbm4b:s4+s23], $0x80, s23, s23, $0xb8;
	[tilespmem:$0x1E800] =	vst v63  }
0x47: {  	_ =	swait.ge [sflag:s25], $0x4000  }
0x48: {  	[sflag:s25] =	ssyncset.done $0x0  }
0x49: {  	s12 =	simm.s32 $0x1400;
	[sflag:s25] =	ssyncadd.s32 $0xFFFFC000  }
0x4a: {  	[spmem:s2] =	stream.indirect.scatter.add.f32 [tilespmem:s20], [sflag:$0x3], $0x80, s12, s23, $0xb8;
	[tilespmem:$0x1E800] =	vst v63  }
0x4b: {  	_ =	swait.ge [sflag:s21], $0x4000  }
0x4c: {  	[sflag:s21] =	ssyncset.done $0x0  }
0x4d: {  	s11 =	simm.s32 $0x100;
	[sflag:s21] =	ssyncadd.s32 $0xFFFFC000  }
0x4e: {  	[tilespmem:s20], [sflag:$0x1] =	stream.indirect.gather [hbm4b:s4+s23], $0x80, s11, s23, $0xb8;
	[tilespmem:$0x1E800] =	vst v63  }
0x4f: {  	_ =	swait.ge [sflag:s26], $0x4000  }
0x50: {  	[sflag:s26] =	ssyncset.done $0x0  }
0x51: {  	s12 =	simm.s32 $0x1480;
	[sflag:s26] =	ssyncadd.s32 $0xFFFFC000  }
0x52: {  	[spmem:s2] =	stream.indirect.scatter.add.f32 [tilespmem:s24], [sflag:$0x3], $0x80, s12, s23, $0xb8;
	[tilespmem:$0x1E800] =	vst v63  }
0x53: {  	_ =	swait.ge [sflag:s21], $0x4000  }
0x54: {  	[sflag:s21] =	ssyncset.done $0x0  }
0x55: {  	s10 =	simm.s32 $0x400;
	s11 =	simm.s32 $0x180;
	[sflag:s21] =	ssyncadd.s32 $0xFFFFC000  }
.LBB2_4:
0x56: {  	[tilespmem:s24], [sflag:$0x2] =	stream.indirect.gather [hbm4b:s4+s23], $0x80, s11, s23, $0xb8;
	[tilespmem:$0x1E800] =	vst v63  }
0x57: {  	s11 =	smov.u32 s10  }
0x58: {  	p0 =	sne.s32 s10, $0x4400;
	s10 =	sadd.s32 $0x400, s10;
	_ =	swait.ge [sflag:s25], $0x4000  }
0x59: {  	s11 =	sshra.s32 s11, $0x2;
	[sflag:s25] =	ssyncset.done $0x0  }
0x5a: {  	s12 =	sadd.s32 $0x1400, s11;
	[sflag:s25] =	ssyncadd.s32 $0xFFFFC000  }
0x5b: {  	[spmem:s2] =	stream.indirect.scatter.add.f32 [tilespmem:s20], [sflag:$0x3], $0x80, s12, s23, $0xb8;
	[tilespmem:$0x1E800] =	vst v63  }
0x5c: {  	_ =	swait.ge [sflag:s21], $0x4000  }
0x5d: {  	[sflag:s21] =	ssyncset.done $0x0  }
0x5e: {  	s12 =	sadd.s32 $0x100, s11;
	[sflag:s21] =	ssyncadd.s32 $0xFFFFC000  }
0x5f: {  	[tilespmem:s20], [sflag:$0x1] =	stream.indirect.gather [hbm4b:s4+s23], $0x80, s12, s23, $0xb8;
	[tilespmem:$0x1E800] =	vst v63  }
0x60: {  	_ =	swait.ge [sflag:s26], $0x4000  }
0x61: {  	[sflag:s26] =	ssyncset.done $0x0  }
.Ltmp1:
0x62: {  	s12 =	sadd.s32 $0x1480, s11;
	[sflag:s26] =	ssyncadd.s32 $0xFFFFC000;
	(pc) =	sbr.rel @p0 .LBB2_4-.Ltmp1, $4  }
0x63: {  	[spmem:s2] =	stream.indirect.scatter.add.f32 [tilespmem:s24], [sflag:$0x3], $0x80, s12, s23, $0xb8;
	[tilespmem:$0x1E800] =	vst v63  }
0x64: {  	_ =	swait.ge [sflag:s21], $0x4000  }
0x65: {  	[sflag:s21] =	ssyncset.done $0x0  }
0x66: {  	s11 =	sadd.s32 $0x180, s11;
	[sflag:s21] =	ssyncadd.s32 $0xFFFFC000  }
0x67: {  	[tilespmem:s24], [sflag:$0x2] =	stream.indirect.gather [hbm4b:s4+s23], $0x80, s11, s23, $0xb8;
	[tilespmem:$0x1E800] =	vst v63  }
0x68: {  	_ =	swait.ge [sflag:s25], $0x4000  }
0x69: {  	[sflag:s25] =	ssyncset.done $0x0  }
0x6a: {  	[sflag:s25] =	ssyncadd.s32 $0xFFFFC000  }
0x6b: {  	[spmem:s2] =	stream.indirect.scatter.add.f32 [tilespmem:s20], [sflag:$0x3], $0x80, s28, s23, $0xb8;
	[tilespmem:$0x1E800] =	vst v63  }
0x6c: {  	_ =	swait.ge [sflag:s21], $0x4000  }
0x6d: {  	[sflag:s21] =	ssyncset.done $0x0  }
0x6e: {  	[sflag:s21] =	ssyncadd.s32 $0xFFFFC000  }
0x6f: {  	[tilespmem:s20], [sflag:$0x1] =	stream.indirect.gather [hbm4b:s4+s23], $0x80, s29, s23, $0xb8;
	[tilespmem:$0x1E800] =	vst v63  }
0x70: {  	_ =	swait.ge [sflag:s26], $0x4000  }
0x71: {  	[sflag:s26] =	ssyncset.done $0x0  }
0x72: {  	[sflag:s26] =	ssyncadd.s32 $0xFFFFC000  }
0x73: {  	[spmem:s2] =	stream.indirect.scatter.add.f32 [tilespmem:s24], [sflag:$0x3], $0x80, s30, s23, $0xb8;
	[tilespmem:$0x1E800] =	vst v63  }
0x74: {  	_ =	swait.ge [sflag:s21], $0x4000  }
0x75: {  	[sflag:s21] =	ssyncset.done $0x0  }
0x76: {  	[sflag:s21] =	ssyncadd.s32 $0xFFFFC000  }
0x77: {  	[tilespmem:s24], [sflag:$0x2] =	stream.indirect.gather [hbm4b:s4+s23], $0x80, s31, s23, $0xb8;
	[tilespmem:$0x1E800] =	vst v63  }
0x78: {  	_ =	swait.ge [sflag:s25], $0x4000  }
0x79: {  	[sflag:s25] =	ssyncset.done $0x0  }
0x7a: {  	[sflag:s25] =	ssyncadd.s32 $0xFFFFC000  }
0x7b: {  	[spmem:s2] =	stream.indirect.scatter.add.f32 [tilespmem:s20], [sflag:$0x3], $0x80, s1, s23, $0xb8;
	[tilespmem:$0x1E800] =	vst v63  }
0x7c: {  	_ =	swait.ge [sflag:s21], $0x4000  }
0x7d: {  	[sflag:s21] =	ssyncset.done $0x0  }
0x7e: {  	[sflag:s21] =	ssyncadd.s32 $0xFFFFC000  }
0x7f: {  	[tilespmem:s20], [sflag:$0x1] =	stream.indirect.gather [hbm4b:s4+s23], $0x80, s31, s23, $0xb8;
	[tilespmem:$0x1E800] =	vst v63  }
0x80: {  	_ =	swait.ge [sflag:s26], $0x4000  }
0x81: {  	[sflag:s26] =	ssyncset.done $0x0  }
0x82: {  	[sflag:s26] =	ssyncadd.s32 $0xFFFFC000  }
0x83: {  	[spmem:s2] =	stream.indirect.scatter.add.f32 [tilespmem:s24], [sflag:$0x3], $0x80, s0, s23, $0xb8;
	[tilespmem:$0x1E800] =	vst v63  }
0x84: {  	_ =	swait.ge [sflag:s21], $0x4000  }
0x85: {  	[sflag:s21] =	ssyncset.done $0x0  }
0x86: {  	[sflag:s21] =	ssyncadd.s32 $0xFFFFC000  }
0x87: {  	[tilespmem:s24], [sflag:$0x2] =	stream.indirect.gather [hbm4b:s4+s23], $0x80, s31, s23, $0xb8;
	[tilespmem:$0x1E800] =	vst v63  }
0x88: {  	_ =	swait.ge [sflag:s25], $0x4000  }
0x89: {  	[sflag:s25] =	ssyncset.done $0x0  }
0x8a: {  	[sflag:s25] =	ssyncadd.s32 $0xFFFFC000  }
0x8b: {  	_ =	swait.ge [sflag:s26], $0x4000  }
0x8c: {  	[sflag:s26] =	ssyncset.done $0x0  }
0x8d: {  	s10 =	simm.s32 $0x0;
	s12 =	rddreg [dreg:$0x5];
	[sflag:s26] =	ssyncadd.s32 $0xFFFFC000  }
0x8e: {  	[tilespmem:s10], [sflag:$0x3] =	stream.linear.gather [hbm4b:s12+s10], $0x1400, $0x38;
	[tilespmem:$0x1E800] =	vst v63  }
0x8f: {  	_ =	swait.ge [sflag:s21], $0x1400  }
0x90: {  	[sflag:s21] =	ssyncset.done $0x0  }
0x91: {  	[sflag:s21] =	ssyncadd.s32 $0xFFFFEC00  }
0x92: {  	[tilespmem:s22], [sflag:$0x3] =	stream.linear.gather [hbm4b:s13+s10], $0x1400, $0x38;
	[tilespmem:$0x1E800] =	vst v63  }
0x93: {  	_ =	swait.ge [sflag:s21], $0x1400  }
0x94: {  	[sflag:s21] =	ssyncset.done $0x0  }
0x95: {  	[sflag:s21] =	ssyncadd.s32 $0xFFFFEC00  }
0x96: {  	[tilespmem:s20], [sflag:$0x1] =	stream.indirect.gather [hbm4b:s4+s23], $0x80, s10, s23, $0xb8;
	[tilespmem:$0x1E800] =	vst v63  }
0x97: {  	_ = 	snop  }
0x98: {  	[tilespmem:s24], [sflag:$0x2] =	stream.indirect.gather [hbm4b:s4+s23], $0x80, s23, s23, $0xb8;
	[tilespmem:$0x1E800] =	vst v63  }
0x99: {  	_ =	swait.ge [sflag:s25], $0x4000  }
0x9a: {  	[sflag:s25] =	ssyncset.done $0x0  }
0x9b: {  	s12 =	simm.s32 $0x1400;
	[sflag:s25] =	ssyncadd.s32 $0xFFFFC000  }
0x9c: {  	[spmem:s2] =	stream.indirect.scatter.add.f32 [tilespmem:s20], [sflag:$0x3], $0x80, s12, s23, $0xb8;
	[tilespmem:$0x1E800] =	vst v63  }
0x9d: {  	_ =	swait.ge [sflag:s21], $0x4000  }
0x9e: {  	[sflag:s21] =	ssyncset.done $0x0  }
0x9f: {  	s11 =	simm.s32 $0x100;
	[sflag:s21] =	ssyncadd.s32 $0xFFFFC000  }
0xa0: {  	[tilespmem:s20], [sflag:$0x1] =	stream.indirect.gather [hbm4b:s4+s23], $0x80, s11, s23, $0xb8;
	[tilespmem:$0x1E800] =	vst v63  }
0xa1: {  	_ =	swait.ge [sflag:s26], $0x4000  }
0xa2: {  	[sflag:s26] =	ssyncset.done $0x0  }
0xa3: {  	s12 =	simm.s32 $0x1480;
	[sflag:s26] =	ssyncadd.s32 $0xFFFFC000  }
0xa4: {  	[spmem:s2] =	stream.indirect.scatter.add.f32 [tilespmem:s24], [sflag:$0x3], $0x80, s12, s23, $0xb8;
	[tilespmem:$0x1E800] =	vst v63  }
0xa5: {  	_ =	swait.ge [sflag:s21], $0x4000  }
0xa6: {  	[sflag:s21] =	ssyncset.done $0x0  }
0xa7: {  	s10 =	simm.s32 $0x400;
	s11 =	simm.s32 $0x180;
	[sflag:s21] =	ssyncadd.s32 $0xFFFFC000  }
.LBB2_6:
0xa8: {  	[tilespmem:s24], [sflag:$0x2] =	stream.indirect.gather [hbm4b:s4+s23], $0x80, s11, s23, $0xb8;
	[tilespmem:$0x1E800] =	vst v63  }
0xa9: {  	s11 =	smov.u32 s10  }
0xaa: {  	p0 =	sne.s32 s10, $0x4400;
	s10 =	sadd.s32 $0x400, s10;
	_ =	swait.ge [sflag:s25], $0x4000  }
0xab: {  	s11 =	sshra.s32 s11, $0x2;
	[sflag:s25] =	ssyncset.done $0x0  }
0xac: {  	s12 =	sadd.s32 $0x1400, s11;
	[sflag:s25] =	ssyncadd.s32 $0xFFFFC000  }
0xad: {  	[spmem:s2] =	stream.indirect.scatter.add.f32 [tilespmem:s20], [sflag:$0x3], $0x80, s12, s23, $0xb8;
	[tilespmem:$0x1E800] =	vst v63  }
0xae: {  	_ =	swait.ge [sflag:s21], $0x4000  }
0xaf: {  	[sflag:s21] =	ssyncset.done $0x0  }
0xb0: {  	s12 =	sadd.s32 $0x100, s11;
	[sflag:s21] =	ssyncadd.s32 $0xFFFFC000  }
0xb1: {  	[tilespmem:s20], [sflag:$0x1] =	stream.indirect.gather [hbm4b:s4+s23], $0x80, s12, s23, $0xb8;
	[tilespmem:$0x1E800] =	vst v63  }
0xb2: {  	_ =	swait.ge [sflag:s26], $0x4000  }
0xb3: {  	[sflag:s26] =	ssyncset.done $0x0  }
.Ltmp2:
0xb4: {  	s12 =	sadd.s32 $0x1480, s11;
	[sflag:s26] =	ssyncadd.s32 $0xFFFFC000;
	(pc) =	sbr.rel @p0 .LBB2_6-.Ltmp2, $4  }
0xb5: {  	[spmem:s2] =	stream.indirect.scatter.add.f32 [tilespmem:s24], [sflag:$0x3], $0x80, s12, s23, $0xb8;
	[tilespmem:$0x1E800] =	vst v63  }
0xb6: {  	_ =	swait.ge [sflag:s21], $0x4000  }
0xb7: {  	[sflag:s21] =	ssyncset.done $0x0  }
0xb8: {  	s11 =	sadd.s32 $0x180, s11;
	[sflag:s21] =	ssyncadd.s32 $0xFFFFC000  }
0xb9: {  	[tilespmem:s24], [sflag:$0x2] =	stream.indirect.gather [hbm4b:s4+s23], $0x80, s11, s23, $0xb8;
	[tilespmem:$0x1E800] =	vst v63  }
0xba: {  	_ =	swait.ge [sflag:s25], $0x4000  }
0xbb: {  	[sflag:s25] =	ssyncset.done $0x0  }
0xbc: {  	[sflag:s25] =	ssyncadd.s32 $0xFFFFC000  }
0xbd: {  	[spmem:s2] =	stream.indirect.scatter.add.f32 [tilespmem:s20], [sflag:$0x3], $0x80, s28, s23, $0xb8;
	[tilespmem:$0x1E800] =	vst v63  }
0xbe: {  	_ =	swait.ge [sflag:s21], $0x4000  }
0xbf: {  	[sflag:s21] =	ssyncset.done $0x0  }
0xc0: {  	[sflag:s21] =	ssyncadd.s32 $0xFFFFC000  }
0xc1: {  	[tilespmem:s20], [sflag:$0x1] =	stream.indirect.gather [hbm4b:s4+s23], $0x80, s29, s23, $0xb8;
	[tilespmem:$0x1E800] =	vst v63  }
0xc2: {  	_ =	swait.ge [sflag:s26], $0x4000  }
0xc3: {  	[sflag:s26] =	ssyncset.done $0x0  }
0xc4: {  	[sflag:s26] =	ssyncadd.s32 $0xFFFFC000  }
0xc5: {  	[spmem:s2] =	stream.indirect.scatter.add.f32 [tilespmem:s24], [sflag:$0x3], $0x80, s30, s23, $0xb8;
	[tilespmem:$0x1E800] =	vst v63  }
0xc6: {  	_ =	swait.ge [sflag:s21], $0x4000  }
0xc7: {  	[sflag:s21] =	ssyncset.done $0x0  }
0xc8: {  	[sflag:s21] =	ssyncadd.s32 $0xFFFFC000  }
0xc9: {  	[tilespmem:s24], [sflag:$0x2] =	stream.indirect.gather [hbm4b:s4+s23], $0x80, s31, s23, $0xb8;
	[tilespmem:$0x1E800] =	vst v63  }
0xca: {  	_ =	swait.ge [sflag:s25], $0x4000  }
0xcb: {  	[sflag:s25] =	ssyncset.done $0x0  }
0xcc: {  	[sflag:s25] =	ssyncadd.s32 $0xFFFFC000  }
0xcd: {  	[spmem:s2] =	stream.indirect.scatter.add.f32 [tilespmem:s20], [sflag:$0x3], $0x80, s1, s23, $0xb8;
	[tilespmem:$0x1E800] =	vst v63  }
0xce: {  	_ =	swait.ge [sflag:s21], $0x4000  }
0xcf: {  	[sflag:s21] =	ssyncset.done $0x0  }
0xd0: {  	[sflag:s21] =	ssyncadd.s32 $0xFFFFC000  }
0xd1: {  	[tilespmem:s20], [sflag:$0x1] =	stream.indirect.gather [hbm4b:s4+s23], $0x80, s31, s23, $0xb8;
	[tilespmem:$0x1E800] =	vst v63  }
0xd2: {  	_ =	swait.ge [sflag:s26], $0x4000  }
0xd3: {  	[sflag:s26] =	ssyncset.done $0x0  }
0xd4: {  	[sflag:s26] =	ssyncadd.s32 $0xFFFFC000  }
0xd5: {  	[spmem:s2] =	stream.indirect.scatter.add.f32 [tilespmem:s24], [sflag:$0x3], $0x80, s0, s23, $0xb8;
	[tilespmem:$0x1E800] =	vst v63  }
0xd6: {  	_ =	swait.ge [sflag:s21], $0x4000  }
0xd7: {  	[sflag:s21] =	ssyncset.done $0x0  }
0xd8: {  	[sflag:s21] =	ssyncadd.s32 $0xFFFFC000  }
0xd9: {  	[tilespmem:s24], [sflag:$0x2] =	stream.indirect.gather [hbm4b:s4+s23], $0x80, s31, s23, $0xb8;
	[tilespmem:$0x1E800] =	vst v63  }
0xda: {  	_ =	swait.ge [sflag:s25], $0x4000  }
0xdb: {  	[sflag:s25] =	ssyncset.done $0x0  }
0xdc: {  	[sflag:s25] =	ssyncadd.s32 $0xFFFFC000  }
0xdd: {  	_ =	swait.ge [sflag:s26], $0x4000  }
0xde: {  	s10 =	stileid.u32;
	[sflag:s26] =	ssyncset.done $0x0  }
0xdf: {  	s10 =	sshll.u32 s10, $0x6;
	[sflag:s26] =	ssyncadd.s32 $0xFFFFC000  }
0xe0: {  	s12 =	sshrl.u32 s5, $0x3;
	s10 =	sor.u32 $0x1C03, s10;
	[bflag:$0x0] =	sbarrier.arrive $0xFFFF  }
0xe1: {  	[hbm:s14], [sflag:s10] =	dma.local [spmem:s12], $0x800  }
0xe2: {  	_ =	swait.ge [sflag:s21], $0x800  }
0xe3: {  	[sflag:s21] =	ssyncset.done $0x0  }
0xe4: {  	s12 =	sshrl.u32 s6, $0x3;
	[sflag:s21] =	ssyncadd.s32 $0xFFFFF800  }
0xe5: {  	[hbm:s15], [sflag:s10] =	dma.local [spmem:s12], $0x800  }
0xe6: {  	_ =	swait.ge [sflag:s21], $0x800  }
0xe7: {  	[sflag:s21] =	ssyncset.done $0x0  }
0xe8: {  	s12 =	sshrl.u32 s7, $0x3;
	[sflag:s21] =	ssyncadd.s32 $0xFFFFF800  }
0xe9: {  	[hbm:s16], [sflag:s10] =	dma.local [spmem:s12], $0x800  }
0xea: {  	_ =	swait.ge [sflag:s21], $0x800  }
0xeb: {  	[sflag:s21] =	ssyncset.done $0x0  }
0xec: {  	s12 =	sshrl.u32 s8, $0x3;
	[sflag:s21] =	ssyncadd.s32 $0xFFFFF800  }
0xed: {  	[hbm:s17], [sflag:s10] =	dma.local [spmem:s12], $0x800  }
0xee: {  	s3 =	sadd.s32 $0x1, s3;
	_ =	swait.ge [sflag:s21], $0x800  }
0xef: {  	p0 =	sne.s32 s3, s19;
	[sflag:s21] =	ssyncset.done $0x0  }
.Ltmp3:
0xf0: {  	s12 =	sshrl.u32 s9, $0x3;
	[sflag:s21] =	ssyncadd.s32 $0xFFFFF800;
	(pc) =	sbr.rel @p0 .LBB2_1-.Ltmp3, $4  }
0xf1: {  	[hbm:s18], [sflag:s10] =	dma.local [spmem:s12], $0x800  }
0xf2: {  	_ =	swait.ge [sflag:s21], $0x800  }
0xf3: {  	[sflag:s21] =	ssyncset.done $0x0  }
0xf4: {  	[sflag:s21] =	ssyncadd.s32 $0xFFFFF800  }
0xf5: {  	_ =	sfence.sel $0x180000  }
0xf6: {  	[bflag:$0x0] =	sbarrier.arrive $0xFFFF  }
0xf7: {  	_ =	strace $0x9000004A  }
0xf8: {  	s0 =	stileid.u32;
	[bflag:$0x2] =	sbarrier.arrive $0xFFFF  }
0xf9: {  	p0 =	sne.s32 s0, $0x0;
	s0 =	rddreg [dreg:$0x2]  }
0xfa: {  	s0 =	sadd.s32 @!p0 $0x100000, s0  }
0xfb: {  	[sflag:s0] =	ssyncadd.tile.s32 @!p0 $0x1;
	_ =	shalt  }
.Lfunc_end2:
_tile_overlayer_lowered:
.L_overlay_start_2:
0xfc: {  	(tag) =	ssettag $0x2  }
0xfd: {  	s0 =	rddreg [dreg:$0x0];
	s2 =	stileid.u32  }
0xfe: {  	s1 =	rddreg [dreg:$0x1];
	p0 =	sne.s32 s2, $0x0  }
0xff: {  	s3 =	rddreg [dreg:$0x2];
	[bflag:$0x3] =	sbarrier.arrive $0xFFFF;
	s2 =	simm.s32 @!p0 $0x1C03  }
0x100: {  	[timem:s3], [sflag:s2] =	dma.local @!p0 [hbm:s0], s1  }
0x101: {  	s0 =	simm.s32 @!p0 $0x3  }
0x102: {  	_ =	swait.ge @!p0 [sflag:s0], s1  }
0x103: {  	s1 =	ssub.s32 @!p0 $0x0, s1;
	[sflag:s0] =	ssyncset.done @!p0 $0x0  }
0x104: {  	[sflag:s0] =	ssyncadd.s32 @!p0 s1  }
0x105: {  	[bflag:$0x3] =	sbarrier.arrive $0xFFFF  }
0x106: {  	_ =	shalt  }

// kernel: kernel.7.cloned.1.call-start
scs
__scs_entry_jumppad:
0x0: {  	(pc) =	sbr.rel $0x88, $3  }
0x1: {  	(tag) =	ssettag $0x0;
	lr =	simm.s32 $0x1  }
0x2: {  	[smem:$0x3F9B] =	sst lr;
	_ =	strace $0xD0000000  }
0x3: {  	_ = 	snop  }
0x4: {  	_ = 	snop  }
0x5: {  	_ = 	snop  }
0x6: {  	_ = 	snop  }
0x7: {  	_ = 	snop  }
__scs_overlays_trampoline_lowered:
0x8: {  	[smem:$0x3FAA] =	sst s0  }
0x9: {  	[smem:$0x3FAB] =	sst s1  }
0xa: {  	[smem:$0x3FAC] =	sst s2  }
0xb: {  	[smem:$0x3FAD] =	sst s3  }
0xc: {  	[smem:$0x3FAE] =	sst s4  }
0xd: {  	[smem:$0x3FAF] =	sst s5  }
0xe: {  	[smem:$0x3FB0] =	sst s6  }
0xf: {  	[smem:$0x3FB1] =	sst s7  }
0x10: {  	[smem:$0x3FB2] =	sst s8  }
0x11: {  	[smem:$0x3FB3] =	sst s9;
	s0 =	simm.s32 @!p0 $0x0  }
0x12: {  	s1 =	sld [smem:$0x3F99];
	s0 =	simm.s32 @p0 $0x1  }
0x13: {  	[smem:$0x3FB4] =	sst s0;
	s0 =	simm.s32 @!p1 $0x0  }
0x14: {  	s2 =	sld [smem:$0x3F98];
	s0 =	simm.s32 @p1 $0x1  }
0x15: {  	[smem:$0x3FB5] =	sst s0;
	s0 =	simm.s32 @!p2 $0x0  }
0x16: {  	s3 =	sld [smem:$0x3FDB];
	s0 =	simm.s32 @p2 $0x1  }
0x17: {  	s4 =	simm.s32 $0x1BF5;
	[smem:$0x3FB7] =	sst s0  }
0x18: {  	s0 =	sld [smem:$0x3F9A];
	_ =	swait.ge [sflag:s4], $0x0  }
0x19: {  	s7 =	sld [smem:$0x3F9B]  }
0x1a: {  	s8 =	sadd.s32 $0xFFFFE003, lr  }
0x1b: {  	s9 =	sadd.s32 $0xFFFFFEF7, lr;
	s5 =	simm.s32 $0xFFFFFFFF;
	p2 =	slt.u32 s8, $0xFFFFF086  }
0x1c: {  	p1 =	slt.u32 s9, $0xF7A;
	s5 =	simm.s32 @!p2 $0x0  }
0x1d: {  	s5 =	simm.s32 @p1 $0x1;
	p0 =	seq.s32 s7, s2  }
0x1e: {  	s7 =	smul.u32 @!p0 $0xF7A, s2;
	p2 =	seq.s32 @!p0 s5, $0x0  }
0x1f: {  	s9 =	smul.u32 $0xF7A, s1;
	s8 =	simm.s32 @!p0 $0x1BF5;
	p2 =	por !p2, p0  }
0x20: {  	[sflag:s8] =	ssyncset.s32 @!p0 $0xFFFFF086;
	s6 =	sadd.s32 @!p0 s3, s7;
	s7 =	simm.s32 @!p0 $0x108  }
0x21: {  	s3 =	sadd.s32 s3, s9;
	s6 =	sadd.s32 @!p0 $0x88, s6;
	s7 =	simm.s32 @p2 $0x1082  }
0x22: {  	[simem:s7], [sflag:s8] =	dma.local @!p0 [hbm:s6], $0xF7A  }
0x23: {  	s9 =	sor.u32 $0xD0000000, s2;
	s6 =	simm.s32 $0x108;
	_ =	swait.ge @!p0 [sflag:s8], $0x0  }
0x24: {  	s3 =	sadd.s32 $0x88, s3;
	s6 =	simm.s32 @!p1 $0x1082;
	[sflag:s4] =	ssyncset.s32 $0xFFFFF086  }
0x25: {  	[simem:s6], [sflag:s4] =	dma.local [hbm:s3], $0xF7A  }
0x26: {  	[smem:$0x3F9B] =	sst s1;
	(tag) =	ssettag s2;
	_ =	strace s9  }
0x27: {  	s1 =	sld [smem:$0x3FAB]  }
0x28: {  	s2 =	sld [smem:$0x3FAC]  }
0x29: {  	s4 =	sld [smem:$0x3FAE]  }
0x2a: {  	p0 =	seq.s32 s5, $0x0;
	s5 =	sld [smem:$0x3FAF]  }
0x2b: {  	s6 =	sld [smem:$0x3FB0]  }
0x2c: {  	s7 =	sld [smem:$0x3FB1]  }
0x2d: {  	s3 =	simm.s32 $0x108;
	s8 =	sld [smem:$0x3FB2]  }
0x2e: {  	s3 =	simm.s32 @!p0 $0x1082;
	s9 =	sld [smem:$0x3FB3]  }
0x2f: {  	lr =	sadd.s32 s0, s3;
	s0 =	sld [smem:$0x3FAA]  }
0x30: {  	s3 =	sld [smem:$0x3FAD]  }
0x31: {  	[smem:$0x3FB6] =	sst s10  }
0x32: {  	s10 =	sld [smem:$0x3FB4];
	_ =	sdelay $0x3  }
0x33: {  	p0 =	seq.s32 s10, $0x1;
	s10 =	sld [smem:$0x3FB6];
	_ =	sdelay $0x3  }
0x34: {  	[smem:$0x3FB6] =	sst s10  }
0x35: {  	s10 =	sld [smem:$0x3FB5];
	_ =	sdelay $0x3  }
0x36: {  	p1 =	seq.s32 s10, $0x1;
	s10 =	sld [smem:$0x3FB6];
	_ =	sdelay $0x3  }
0x37: {  	[smem:$0x3FB6] =	sst s10  }
0x38: {  	s10 =	sld [smem:$0x3FB7]  }
0x39: {  	_ = 	snop;
	(pc) =	sbr.ind lr, $3  }
0x3a: {  	_ = 	snop  }
0x3b: {  	_ = 	snop  }
0x3c: {  	p2 =	seq.s32 s10, $0x1;
	s10 =	sld [smem:$0x3FB6]  }
0x3d: {  	_ =	shalt  }
0x3e: {  	_ =	shalt  }
0x3f: {  	_ =	shalt  }
0x40: {  	_ =	shalt  }
0x41: {  	_ =	shalt  }
0x42: {  	_ =	shalt  }
0x43: {  	_ =	shalt  }
0x44: {  	_ =	shalt  }
0x45: {  	_ =	shalt  }
0x46: {  	_ =	shalt  }
0x47: {  	_ =	shalt  }
0x48: {  	_ =	shalt  }
0x49: {  	_ =	shalt  }
0x4a: {  	_ =	shalt  }
0x4b: {  	_ =	shalt  }
0x4c: {  	_ =	shalt  }
0x4d: {  	_ =	shalt  }
0x4e: {  	_ =	shalt  }
0x4f: {  	_ =	shalt  }
0x50: {  	_ =	shalt  }
0x51: {  	_ =	shalt  }
0x52: {  	_ =	shalt  }
0x53: {  	_ =	shalt  }
0x54: {  	_ =	shalt  }
0x55: {  	_ =	shalt  }
0x56: {  	_ =	shalt  }
0x57: {  	_ =	shalt  }
0x58: {  	_ =	shalt  }
0x59: {  	_ =	shalt  }
0x5a: {  	_ =	shalt  }
0x5b: {  	_ =	shalt  }
0x5c: {  	_ =	shalt  }
0x5d: {  	_ =	shalt  }
0x5e: {  	_ =	shalt  }
0x5f: {  	_ =	shalt  }
0x60: {  	_ =	shalt  }
0x61: {  	_ =	shalt  }
0x62: {  	_ =	shalt  }
0x63: {  	_ =	shalt  }
0x64: {  	_ =	shalt  }
0x65: {  	_ =	shalt  }
0x66: {  	_ =	shalt  }
0x67: {  	_ =	shalt  }
0x68: {  	_ =	shalt  }
0x69: {  	_ =	shalt  }
0x6a: {  	_ =	shalt  }
0x6b: {  	_ =	shalt  }
0x6c: {  	_ =	shalt  }
0x6d: {  	_ =	shalt  }
0x6e: {  	_ =	shalt  }
0x6f: {  	_ =	shalt  }
0x70: {  	_ =	shalt  }
0x71: {  	_ =	shalt  }
0x72: {  	_ =	shalt  }
0x73: {  	_ =	shalt  }
0x74: {  	_ =	shalt  }
0x75: {  	_ =	shalt  }
0x76: {  	_ =	shalt  }
0x77: {  	_ =	shalt  }
0x78: {  	_ =	shalt  }
0x79: {  	_ =	shalt  }
0x7a: {  	_ =	shalt  }
0x7b: {  	_ =	shalt  }
0x7c: {  	_ =	shalt  }
0x7d: {  	_ =	shalt  }
0x7e: {  	_ =	shalt  }
0x7f: {  	_ =	shalt  }
0x80: {  	_ =	shalt  }
0x81: {  	_ =	shalt  }
0x82: {  	_ =	shalt  }
0x83: {  	_ =	shalt  }
0x84: {  	_ =	shalt  }
0x85: {  	_ =	shalt  }
0x86: {  	_ =	shalt  }
0x87: {  	_ =	shalt  }
.Lfunc_end0:
.L_simem_size_0:
called_computation_lowered:
.L_overlay_start_0:
0x88: {  	s2 =	sld [smem:$0x3FD9]  }
0x89: {  	s3 =	sld [smem:$0x3FFE];
	_ =	sdelay $0x1  }
0x8a: {  	s1 =	srdreg.scid  }
0x8b: {  	s0 =	sand.u32 $0x1, s1  }
0x8c: {  	s17 =	sshll.u32 s0, $0xA;
	s2 =	sadd.s32 s3, s2  }
0x8d: {  	s2 =	sadd.s32 s2, s17  }
0x8e: {  	[smem:$0x3FC2] =	sst s2  }
0x8f: {  	_ = 	snop  }
0x90: {  	s2 =	sld [smem:$0x3FD0];
	(tm) =	ssettm $0x1  }
0x91: {  	s18 =	sld [smem:$0x3FFB];
	_ =	sdelay $0x3  }
0x92: {  	_ =	strace s18  }
0x93: {  	s3 =	sld [smem:$0x3FFC];
	_ =	sdelay $0x3  }
0x94: {  	_ =	strace s3  }
0x95: {  	s3 =	sld [smem:$0x3FFD];
	_ =	sdelay $0x3  }
0x96: {  	_ =	strace s3  }
0x97: {  	_ =	strace $0x8FFFFFFF  }
0x98: {  	s19 =	sld [smem:$0x3FDB];
	_ =	sdelay $0x1  }
0x99: {  	s4 =	simm.s32 $_scs_section_size  }
0x9a: {  	s5 =	simm.s32 $_size__tile_overlayer_lowered;
	s6 =	simm.s32 $_tile_overlayer_lowered  }
0x9b: {  	s22 =	simm.s32 $0x1BFF;
	s21 =	sshll.u32 s6, $0x1;
	s3 =	sadd.s32 s4, s19  }
0x9c: {  	s7 =	simm.s32 $0x0;
	s20 =	sshll.u32 s5, $0x1;
	s5 =	sadd.s32 s21, s3  }
0x9d: {  	[timem:s7], [sflag:s22] =	dma.local [hbm:s5], s20  }
0x9e: {  	_ =	swait.ge [sflag:s22], s20  }
0x9f: {  	s4 =	ssub.s32 $0x0, s20;
	[sflag:s22] =	ssyncset.done $0x0  }
0xa0: {  	[sflag:s22] =	ssyncadd.s32 s4;
	_ =	sdelay $0x1  }
0xa1: {  	s23 =	simm.s32 $0x1B8B  }
0xa2: {  	_ =	swait.ge [sflag:s23], $0x1  }
0xa3: {  	[sflag:s23] =	ssyncset.done $0x0  }
0xa4: {  	s25 =	simm.s32 $0x1B8E;
	s24 =	sld [smem:$0x3FFE];
	[sflag:s23] =	ssyncadd.s32 $0xFFFFFFFF  }
0xa5: {  	s26 =	simm.s32 $execute0_lowered;
	[smem:$0x3FD2] =	sst s25  }
0xa6: {  	s5 =	sshll.u32 s26, $0x1;
	_ =	strace $0x80000046;
	[dreg:$0x1] =	wrdreg $0xFFFFFFFF  }
0xa7: {  	s28 =	simm.s32 $_size_execute0_lowered;
	s3 =	sadd.s32 s3, s5;
	[dreg:$0x0] =	wrdreg $0x0  }
0xa8: {  	s5 =	sshll.u32 s28, $0x1;
	[dreg:$0x2] =	wrdreg s3  }
0xa9: {  	[dreg:$0x3] =	wrdreg s5  }
0xaa: {  	[dreg:$0x4] =	wrdreg $0xC0  }
0xab: {  	_ =	task [dreg:s7], $0x5FFFF  }
0xac: {  	[dreg:$0x1] =	wrdreg $0xFFFFFFFF  }
0xad: {  	[dreg:$0x0] =	wrdreg $0x60  }
0xae: {  	[dreg:$0x2] =	wrdreg s2  }
0xaf: {  	[dreg:$0x3] =	wrdreg s24  }
0xb0: {  	[dreg:$0x4] =	wrdreg $0xA7800  }
0xb1: {  	[dreg:$0x5] =	wrdreg $0xAA000  }
0xb2: {  	[dreg:$0x6] =	wrdreg $0x9  }
0xb3: {  	_ =	task.clear_ibuf [dreg:s7], $0x7FFFF;
	_ =	strace $0x90000046  }
0xb4: {  	s29 =	simm.s32 $0x9;
	_ =	strace $0x80000048  }
0xb5: {  	_ =	swait.ge [sflag:s29], $0x1  }
0xb6: {  	[sflag:s29] =	ssyncadd.s32 $0xFFFFFFFF  }
0xb7: {  	_ =	strace $0x90000048  }
0xb8: {  	_ =	sfence  }
0xb9: {  	s30 =	sld [smem:$0x0];
	_ =	sdelay $0x2  }
0xba: {  	s31 =	sshll.u32 s1, $0xD;
	s1 =	sshrl.u32 s1, $0x2  }
0xbb: {  	s3 =	sand.u32 $0x4000, s31;
	s1 =	sadd.s32 s1, s30  }
0xbc: {  	s0 =	sor.u32 s3, s0;
	s1 =	sshll.u32 s1, $0x11  }
0xbd: {  	s0 =	sor.u32 s1, s0  }
0xbe: {  	s0 =	sadd.s32 $0x8F2B, s0  }
0xbf: {  	[sflag:s0] =	ssyncadd.remote.s32 $0x1  }
0xc0: {  	_ =	sfence.sel $0xFFFF  }
0xc1: {  	[dreg:$0x0] =	wrdreg $0xFFFFFFFF;
	(pc) =	sbr.abs _section_cstart, $3  }
0xc2: {  	[dreg:$0x1] =	wrdreg $0xFFFFFFFF  }
0xc3: {  	_ =	task.clear_ibuf [dreg:s7], $0x2FFFF;
	_ =	strace $0x9FFFFFFF  }
0xc4: {  	(tm) =	ssettm $0x7FFFFFFF  }
0xc5: {  	_ =	shalt  }
tec
execute0_lowered:
.L_overlay_start_1:
0x0: {  	(tag) =	ssettag $0x1  }
0x1: {  	s0 =	rddreg [dreg:$0x0]  }
0x2: {  	s2 =	rddreg [dreg:$0x1]  }
0x3: {  	s1 =	rddreg [dreg:$0x2]  }
0x4: {  	s3 =	rddreg [dreg:$0x3];
	s4 =	simm.s32 $0x0  }
0x5: {  	s5 =	srdreg.scid;
	s9 =	stileid.u32;
	s13 =	simm.s32 $0xA080  }
0x6: {  	s14 =	simm.s32 $0x5;
	s15 =	simm.s32 $0x5000;
	s17 =	simm.s32 $0x80  }
0x7: {  	s18 =	simm.s32 $0xA000;
	s19 =	simm.s32 $0xA300;
	s20 =	simm.s32 $0xA580  }
0x8: {  	s22 =	simm.s32 $0xA600;
	s24 =	simm.s32 $0xA680;
	s28 =	simm.s32 $0x1  }
0x9: {  	s29 =	simm.s32 $0x2;
	s30 =	simm.s32 $0x3;
	s31 =	simm.s32 $0x4  }
0xa: {  	s21 =	simm.s32 $0x7780;
	s16 =	simm.s32 $0x0;
	s5 =	sand.u32 $0x1, s5  }
0xb: {  	s6 =	sshll.u32 s9, $0x1;
	s10 =	smul.u32 $0x280, s9;
	[smem:$0x7FF] =	sst s4  }
0xc: {  	s6 =	sor.u32 s5, s6;
	s7 =	smul.u32 $0x2800, s5;
	_ =	strace $0x80000047  }
0xd: {  	s8 =	sshll.u32 s5, $0x4;
	s5 =	ssub.s32 $0x2, s5;
	s6 =	smul.u32 $0x500, s6  }
0xe: {  	s8 =	sor.u32 s9, s8;
	s26 =	sshrl.u32 s5, $0x1;
	s7 =	sadd.s32 s10, s7  }
0xf: {  	s8 =	smul.u32 $0xA00, s8;
	s12 =	ssub.s32 s5, s26;
	s5 =	sadd.s32 s10, s1  }
0x10: {  	s10 =	sadd.s32 s10, s3;
	s26 =	simm.s32 $0xA700;
	s7 =	sshrl.u32 s7, $0x3  }
0x11: {  	s11 =	sadd.s32 s6, s2;
	s12 =	smax.u32 s12, $0x1;
	s2 =	sadd.s32 s7, s2  }
0x12: {  	s6 =	sadd.s32 s0, s8;
	s7 =	sadd.s32 $0xC600, s11;
	s8 =	sadd.s32 $0x2600, s11  }
0x13: {  	v0 =	vimm.f32 $1.000000000e+00;
	v1 =	vimm.f32 $0.0e+00;
	s0 =	simm.s32 $0x9F80;
	s9 =	sadd.s32 $0x16600, s2;
	s11 =	sadd.s32 $0x17000, s2  }
.LBB2_1:
0x14: {  	[tilespmem:$0xA000] =	vst v0  }
0x15: {  	[tilespmem:$0xA010] =	vst v0  }
0x16: {  	[tilespmem:$0xA020] =	vst v0  }
0x17: {  	[tilespmem:$0xA030] =	vst v0  }
0x18: {  	[tilespmem:$0xA040] =	vst v0  }
0x19: {  	[tilespmem:$0xA050] =	vst v0  }
0x1a: {  	[tilespmem:$0xA060] =	vst v0  }
0x1b: {  	[tilespmem:$0xA070] =	vst v0  }
0x1c: {  	[tilespmem:$0xA080] =	vst v1  }
0x1d: {  	[tilespmem:$0xA090] =	vst v1  }
0x1e: {  	[tilespmem:$0xA0A0] =	vst v1  }
0x1f: {  	[tilespmem:$0xA0B0] =	vst v1  }
0x20: {  	[tilespmem:$0xA0C0] =	vst v1  }
0x21: {  	[tilespmem:$0xA0D0] =	vst v1  }
0x22: {  	[tilespmem:$0xA0E0] =	vst v1  }
0x23: {  	[tilespmem:$0xA0F0] =	vst v1  }
0x24: {  	[tilespmem:$0xA100] =	vst v1  }
0x25: {  	[tilespmem:$0xA110] =	vst v1  }
0x26: {  	[tilespmem:$0xA120] =	vst v1  }
0x27: {  	[tilespmem:$0xA130] =	vst v1  }
0x28: {  	[tilespmem:$0xA140] =	vst v1  }
0x29: {  	[tilespmem:$0xA150] =	vst v1  }
0x2a: {  	[tilespmem:$0xA160] =	vst v1  }
0x2b: {  	[tilespmem:$0xA170] =	vst v1  }
0x2c: {  	[tilespmem:$0xA180] =	vst v1  }
0x2d: {  	[tilespmem:$0xA190] =	vst v1  }
0x2e: {  	[tilespmem:$0xA1A0] =	vst v1  }
0x2f: {  	[tilespmem:$0xA1B0] =	vst v1  }
0x30: {  	[tilespmem:$0xA1C0] =	vst v1  }
0x31: {  	[tilespmem:$0xA1D0] =	vst v1  }
0x32: {  	[tilespmem:$0xA1E0] =	vst v1  }
0x33: {  	[tilespmem:$0xA1F0] =	vst v1  }
0x34: {  	[tilespmem:$0xA200] =	vst v1  }
0x35: {  	[tilespmem:$0xA210] =	vst v1  }
0x36: {  	[tilespmem:$0xA220] =	vst v1  }
0x37: {  	[tilespmem:$0xA230] =	vst v1  }
0x38: {  	[tilespmem:$0xA240] =	vst v1  }
0x39: {  	[tilespmem:$0xA250] =	vst v1  }
0x3a: {  	[tilespmem:$0xA260] =	vst v1  }
0x3b: {  	[tilespmem:$0xA270] =	vst v1  }
0x3c: {  	[tilespmem:$0xA280] =	vst v1  }
0x3d: {  	[tilespmem:$0xA290] =	vst v1  }
0x3e: {  	[tilespmem:$0xA2A0] =	vst v1  }
0x3f: {  	[tilespmem:$0xA2B0] =	vst v1  }
0x40: {  	[tilespmem:$0xA2C0] =	vst v1  }
0x41: {  	[tilespmem:$0xA2D0] =	vst v1  }
0x42: {  	[tilespmem:$0xA2E0] =	vst v1  }
0x43: {  	[tilespmem:$0xA2F0] =	vst v1  }
0x44: {  	[spmem:s5] =	stream.linear.scatter [tilespmem:s13], [sflag:$0x5], $0x280, $0x38;
	[tilespmem:$0xAC80] =	vst v63  }
0x45: {  	_ =	swait.ge [sflag:s14], $0x280  }
0x46: {  	[sflag:s14] =	ssyncset.done $0x0  }
0x47: {  	[sflag:s14] =	ssyncadd.s32 $0xFFFFFD80  }
0x48: {  	[tilespmem:s4], [sflag:$0x5] =	stream.linear.gather [hbm4b:s6+s4], $0x5000, $0x38;
	[tilespmem:$0xAC80] =	vst v63  }
0x49: {  	_ =	swait.ge [sflag:s14], $0x5000  }
0x4a: {  	[sflag:s14] =	ssyncset.done $0x0  }
0x4b: {  	[sflag:s14] =	ssyncadd.s32 $0xFFFFB000  }
0x4c: {  	[tilespmem:s15], [sflag:$0x5] =	stream.linear.gather [hbm4b:s7+s4], $0x2800, $0x38;
	[tilespmem:$0xAC80] =	vst v63  }
0x4d: {  	_ =	swait.ge [sflag:s14], $0x2800  }
0x4e: {  	[sflag:s14] =	ssyncset.done $0x0  }
0x4f: {  	s2 =	simm.s32 $0x7800;
	[sflag:s14] =	ssyncadd.s32 $0xFFFFD800  }
0x50: {  	[tilespmem:s2], [sflag:$0x5] =	stream.linear.gather [hbm4b:s8+s4], $0x2800, $0x38;
	[tilespmem:$0xAC80] =	vst v63  }
0x51: {  	_ =	swait.ge [sflag:s14], $0x2800  }
0x52: {  	[sflag:s14] =	ssyncset.done $0x0  }
0x53: {  	[sflag:s14] =	ssyncadd.s32 $0xFFFFD800  }
0x54: {  	s25 =	simm.s32 $0x0;
	[bflag:$0x0] =	sbarrier.arrive $0xFFFF  }
0x55: {  	[spmem:s1] =	stream.indirect.scatter.add.f32 [tilespmem:s18], [sflag:$0x5], $0x1, s25, s17, $0xb8;
	[tilespmem:$0xAC80] =	vst v63  }
0x56: {  	_ =	swait.ge [sflag:s14], $0x80  }
0x57: {  	s2 =	simm.s32 $0x200;
	[sflag:s14] =	ssyncset.done $0x0  }
.LBB2_2:
0x58: {  	s23 =	sshra.s32 s2, $0x2;
	[sflag:s14] =	ssyncadd.s32 $0xFFFFFF80;
	p0 =	sne.s32 s2, $0x13E00  }
0x59: {  	[spmem:s1] =	stream.indirect.scatter.add.f32 [tilespmem:s18], [sflag:$0x5], $0x1, s23, s17, $0xb8;
	[tilespmem:$0xAC80] =	vst v63  }
.Ltmp0:
0x5a: {  	_ = 	snop;
	(pc) =	sbr.rel @p0 .LBB2_2-.Ltmp0, $4  }
0x5b: {  	_ = 	snop  }
0x5c: {  	s2 =	sadd.s32 $0x200, s2  }
0x5d: {  	_ =	swait.ge [sflag:s14], $0x80  }
0x5e: {  	[sflag:s14] =	ssyncset.done $0x0  }
0x5f: {  	[sflag:s14] =	ssyncadd.s32 $0xFFFFFF80  }
0x60: {  	[bflag:$0x0] =	sbarrier.arrive $0xFFFF  }
0x61: {  	[tilespmem:s19], [sflag:$0x5] =	stream.linear.gather [spmem:s5], $0x280, $0x38;
	[tilespmem:$0xAC80] =	vst v63  }
0x62: {  	_ =	swait.ge [sflag:s14], $0x280  }
0x63: {  	[sflag:s14] =	ssyncset.done $0x0  }
0x64: {  	s2 =	simm.s32 $0x0;
	s23 =	simm.s32 $0x40;
	[sflag:s14] =	ssyncadd.s32 $0xFFFFFD80  }
.LBB2_4:
0x65: {  	p0 =	sne.s32 s23, $0x9C0;
	v2 =	vld [tilespmem:s2+$0xA300];
	_ =	sdelay $0x4  }
0x66: {  	v2 =	vadd.f32 $1.000000000e+00, v2;
	_ =	sdelay $0x1  }
0x67: {  	v3 =	vshrl.u32 v2, $0x1;
	v2 =	vmul.f32 $5.000000000e-01, v2  }
0x68: {  	v3 =	vsub.s32 $0x5F3759DF, v3  }
0x69: {  	v4 =	vmul.f32 v3, v2;
	_ =	sdelay $0x1  }
0x6a: {  	v4 =	vmul.f32 v3, v4;
	_ =	sdelay $0x1  }
0x6b: {  	v4 =	vsub.f32 $1.500000000e+00, v4;
	_ =	sdelay $0x1  }
0x6c: {  	v3 =	vmul.f32 v3, v4;
	_ =	sdelay $0x1  }
0x6d: {  	v2 =	vmul.f32 v3, v2;
	_ =	sdelay $0x1  }
0x6e: {  	v2 =	vmul.f32 v2, v3;
	_ =	sdelay $0x1  }
.Ltmp1:
0x6f: {  	v2 =	vsub.f32 $1.500000000e+00, v2;
	(pc) =	sbr.rel @p0 .LBB2_4-.Ltmp1, $3  }
0x70: {  	_ = 	snop  }
0x71: {  	v2 =	vmul.f32 v2, v3;
	_ =	sdelay $0x1  }
0x72: {  	[tilespmem:s2+$0xA300] =	vst v2;
	s2 =	sshra.s32 s23, $0x2;
	s23 =	sadd.s32 $0x40, s23  }
0x73: {  	v2 =	vld [tilespmem:s2+$0xA300];
	_ =	sdelay $0x4  }
0x74: {  	v2 =	vadd.f32 $1.000000000e+00, v2;
	_ =	sdelay $0x1  }
0x75: {  	v3 =	vshrl.u32 v2, $0x1;
	v2 =	vmul.f32 $5.000000000e-01, v2  }
0x76: {  	v3 =	vsub.s32 $0x5F3759DF, v3  }
0x77: {  	v4 =	vmul.f32 v3, v2;
	_ =	sdelay $0x1  }
0x78: {  	v4 =	vmul.f32 v3, v4;
	_ =	sdelay $0x1  }
0x79: {  	v4 =	vsub.f32 $1.500000000e+00, v4;
	_ =	sdelay $0x1  }
0x7a: {  	v3 =	vmul.f32 v3, v4;
	_ =	sdelay $0x1  }
0x7b: {  	v2 =	vmul.f32 v3, v2;
	_ =	sdelay $0x1  }
0x7c: {  	v2 =	vmul.f32 v2, v3;
	_ =	sdelay $0x1  }
0x7d: {  	v2 =	vsub.f32 $1.500000000e+00, v2;
	_ =	sdelay $0x1  }
0x7e: {  	v2 =	vmul.f32 v2, v3;
	_ =	sdelay $0x1  }
0x7f: {  	s25 =	simm.s32 $0x0;
	[tilespmem:s2+$0xA300] =	vst v2  }
0x80: {  	[hbm4b:s9+s25] =	stream.linear.scatter [tilespmem:s19], [sflag:$0x5], $0x280, $0x38;
	[tilespmem:$0xAC80] =	vst v63  }
0x81: {  	_ =	swait.ge [sflag:s14], $0x280  }
0x82: {  	[sflag:s14] =	ssyncset.done $0x0  }
0x83: {  	[sflag:s14] =	ssyncadd.s32 $0xFFFFFD80  }
0x84: {  	[spmem:s10] =	stream.linear.scatter [tilespmem:s19], [sflag:$0x5], $0x280, $0x38;
	[tilespmem:$0xAC80] =	vst v63  }
0x85: {  	_ =	swait.ge [sflag:s14], $0x280  }
0x86: {  	[sflag:s14] =	ssyncset.done $0x0  }
0x87: {  	[sflag:s14] =	ssyncadd.s32 $0xFFFFFD80  }
0x88: {  	[spmem:s5] =	stream.linear.scatter [tilespmem:s13], [sflag:$0x5], $0x280, $0x38;
	[tilespmem:$0xAC80] =	vst v63  }
0x89: {  	_ =	swait.ge [sflag:s14], $0x280  }
0x8a: {  	[sflag:s14] =	ssyncset.done $0x0  }
0x8b: {  	[sflag:s14] =	ssyncadd.s32 $0xFFFFFD80  }
0x8c: {  	[bflag:$0x0] =	sbarrier.arrive $0xFFFF  }
0x8d: {  	[tilespmem:s20], [sflag:$0x1] =	stream.indirect.gather [spmem:s3], $0x1, s15, s17, $0xb8;
	[tilespmem:$0xAC80] =	vst v63  }
0x8e: {  	s23 =	simm.s32 $0x5080  }
0x8f: {  	[tilespmem:s22], [sflag:$0x2] =	stream.indirect.gather [spmem:s3], $0x1, s23, s17, $0xb8;
	[tilespmem:$0xAC80] =	vst v63  }
0x90: {  	s25 =	simm.s32 $0x5100  }
0x91: {  	[tilespmem:s24], [sflag:$0x3] =	stream.indirect.gather [spmem:s3], $0x1, s25, s17, $0xb8;
	[tilespmem:$0xAC80] =	vst v63  }
0x92: {  	s23 =	simm.s32 $0x5180  }
0x93: {  	[tilespmem:s26], [sflag:$0x4] =	stream.indirect.gather [spmem:s3], $0x1, s23, s17, $0xb8;
	[tilespmem:$0xAC80] =	vst v63  }
0x94: {  	_ =	swait.ge [sflag:s28], $0x80  }
0x95: {  	[sflag:s28] =	ssyncset.done $0x0  }
0x96: {  	s25 =	simm.s32 $0x7800;
	[sflag:s28] =	ssyncadd.s32 $0xFFFFFF80  }
0x97: {  	[spmem:s1] =	stream.indirect.scatter.add.f32 [tilespmem:s20], [sflag:$0x5], $0x1, s25, s17, $0xb8;
	[tilespmem:$0xAC80] =	vst v63  }
0x98: {  	_ =	swait.ge [sflag:s14], $0x80  }
0x99: {  	[sflag:s14] =	ssyncset.done $0x0  }
0x9a: {  	s23 =	simm.s32 $0x5200;
	[sflag:s14] =	ssyncadd.s32 $0xFFFFFF80  }
0x9b: {  	[tilespmem:s20], [sflag:$0x1] =	stream.indirect.gather [spmem:s3], $0x1, s23, s17, $0xb8;
	[tilespmem:$0xAC80] =	vst v63  }
0x9c: {  	_ =	swait.ge [sflag:s29], $0x80  }
0x9d: {  	[sflag:s29] =	ssyncset.done $0x0  }
0x9e: {  	s25 =	simm.s32 $0x7880;
	[sflag:s29] =	ssyncadd.s32 $0xFFFFFF80  }
0x9f: {  	[spmem:s1] =	stream.indirect.scatter.add.f32 [tilespmem:s22], [sflag:$0x5], $0x1, s25, s17, $0xb8;
	[tilespmem:$0xAC80] =	vst v63  }
0xa0: {  	_ =	swait.ge [sflag:s14], $0x80  }
0xa1: {  	[sflag:s14] =	ssyncset.done $0x0  }
0xa2: {  	s23 =	simm.s32 $0x5280;
	[sflag:s14] =	ssyncadd.s32 $0xFFFFFF80  }
0xa3: {  	[tilespmem:s22], [sflag:$0x2] =	stream.indirect.gather [spmem:s3], $0x1, s23, s17, $0xb8;
	[tilespmem:$0xAC80] =	vst v63  }
0xa4: {  	_ =	swait.ge [sflag:s30], $0x80  }
0xa5: {  	[sflag:s30] =	ssyncset.done $0x0  }
0xa6: {  	s25 =	simm.s32 $0x7900;
	[sflag:s30] =	ssyncadd.s32 $0xFFFFFF80  }
0xa7: {  	[spmem:s1] =	stream.indirect.scatter.add.f32 [tilespmem:s24], [sflag:$0x5], $0x1, s25, s17, $0xb8;
	[tilespmem:$0xAC80] =	vst v63  }
0xa8: {  	_ =	swait.ge [sflag:s14], $0x80  }
0xa9: {  	[sflag:s14] =	ssyncset.done $0x0  }
0xaa: {  	s23 =	simm.s32 $0x5300;
	[sflag:s14] =	ssyncadd.s32 $0xFFFFFF80  }
0xab: {  	[tilespmem:s24], [sflag:$0x3] =	stream.indirect.gather [spmem:s3], $0x1, s23, s17, $0xb8;
	[tilespmem:$0xAC80] =	vst v63  }
0xac: {  	_ =	swait.ge [sflag:s31], $0x80  }
0xad: {  	[sflag:s31] =	ssyncset.done $0x0  }
0xae: {  	s25 =	simm.s32 $0x7980;
	[sflag:s31] =	ssyncadd.s32 $0xFFFFFF80  }
0xaf: {  	[spmem:s1] =	stream.indirect.scatter.add.f32 [tilespmem:s26], [sflag:$0x5], $0x1, s25, s17, $0xb8;
	[tilespmem:$0xAC80] =	vst v63  }
0xb0: {  	_ =	swait.ge [sflag:s14], $0x80  }
0xb1: {  	[sflag:s14] =	ssyncset.done $0x0  }
0xb2: {  	s2 =	simm.s32 $0x800;
	s23 =	simm.s32 $0x5380;
	[sflag:s14] =	ssyncadd.s32 $0xFFFFFF80  }
.LBB2_6:
0xb3: {  	[tilespmem:s26], [sflag:$0x4] =	stream.indirect.gather [spmem:s3], $0x1, s23, s17, $0xb8;
	[tilespmem:$0xAC80] =	vst v63  }
0xb4: {  	s23 =	smov.u32 s2  }
0xb5: {  	p0 =	sne.s32 s2, $0x8800;
	s2 =	sadd.s32 $0x800, s2;
	_ =	swait.ge [sflag:s28], $0x80  }
0xb6: {  	s23 =	sshra.s32 s23, $0x2;
	[sflag:s28] =	ssyncset.done $0x0  }
0xb7: {  	s25 =	sadd.s32 $0x7800, s23;
	[sflag:s28] =	ssyncadd.s32 $0xFFFFFF80  }
0xb8: {  	[spmem:s1] =	stream.indirect.scatter.add.f32 [tilespmem:s20], [sflag:$0x5], $0x1, s25, s17, $0xb8;
	[tilespmem:$0xAC80] =	vst v63  }
0xb9: {  	_ =	swait.ge [sflag:s14], $0x80  }
0xba: {  	[sflag:s14] =	ssyncset.done $0x0  }
0xbb: {  	s25 =	sadd.s32 $0x5200, s23;
	[sflag:s14] =	ssyncadd.s32 $0xFFFFFF80  }
0xbc: {  	[tilespmem:s20], [sflag:$0x1] =	stream.indirect.gather [spmem:s3], $0x1, s25, s17, $0xb8;
	[tilespmem:$0xAC80] =	vst v63  }
0xbd: {  	_ =	swait.ge [sflag:s29], $0x80  }
0xbe: {  	[sflag:s29] =	ssyncset.done $0x0  }
0xbf: {  	s25 =	sadd.s32 $0x7880, s23;
	[sflag:s29] =	ssyncadd.s32 $0xFFFFFF80  }
0xc0: {  	[spmem:s1] =	stream.indirect.scatter.add.f32 [tilespmem:s22], [sflag:$0x5], $0x1, s25, s17, $0xb8;
	[tilespmem:$0xAC80] =	vst v63  }
0xc1: {  	_ =	swait.ge [sflag:s14], $0x80  }
0xc2: {  	[sflag:s14] =	ssyncset.done $0x0  }
0xc3: {  	s25 =	sadd.s32 $0x5280, s23;
	[sflag:s14] =	ssyncadd.s32 $0xFFFFFF80  }
0xc4: {  	[tilespmem:s22], [sflag:$0x2] =	stream.indirect.gather [spmem:s3], $0x1, s25, s17, $0xb8;
	[tilespmem:$0xAC80] =	vst v63  }
0xc5: {  	_ =	swait.ge [sflag:s30], $0x80  }
0xc6: {  	[sflag:s30] =	ssyncset.done $0x0  }
0xc7: {  	s25 =	sadd.s32 $0x7900, s23;
	[sflag:s30] =	ssyncadd.s32 $0xFFFFFF80  }
0xc8: {  	[spmem:s1] =	stream.indirect.scatter.add.f32 [tilespmem:s24], [sflag:$0x5], $0x1, s25, s17, $0xb8;
	[tilespmem:$0xAC80] =	vst v63  }
0xc9: {  	_ =	swait.ge [sflag:s14], $0x80  }
0xca: {  	[sflag:s14] =	ssyncset.done $0x0  }
0xcb: {  	s25 =	sadd.s32 $0x5300, s23;
	[sflag:s14] =	ssyncadd.s32 $0xFFFFFF80  }
0xcc: {  	[tilespmem:s24], [sflag:$0x3] =	stream.indirect.gather [spmem:s3], $0x1, s25, s17, $0xb8;
	[tilespmem:$0xAC80] =	vst v63  }
0xcd: {  	_ =	swait.ge [sflag:s31], $0x80  }
0xce: {  	[sflag:s31] =	ssyncset.done $0x0  }
.Ltmp2:
0xcf: {  	s25 =	sadd.s32 $0x7980, s23;
	[sflag:s31] =	ssyncadd.s32 $0xFFFFFF80;
	(pc) =	sbr.rel @p0 .LBB2_6-.Ltmp2, $4  }
0xd0: {  	[spmem:s1] =	stream.indirect.scatter.add.f32 [tilespmem:s26], [sflag:$0x5], $0x1, s25, s17, $0xb8;
	[tilespmem:$0xAC80] =	vst v63  }
0xd1: {  	_ =	swait.ge [sflag:s14], $0x80  }
0xd2: {  	[sflag:s14] =	ssyncset.done $0x0  }
0xd3: {  	s23 =	sadd.s32 $0x5380, s23;
	[sflag:s14] =	ssyncadd.s32 $0xFFFFFF80  }
0xd4: {  	[tilespmem:s26], [sflag:$0x4] =	stream.indirect.gather [spmem:s3], $0x1, s23, s17, $0xb8;
	[tilespmem:$0xAC80] =	vst v63  }
0xd5: {  	_ =	swait.ge [sflag:s28], $0x80  }
0xd6: {  	[sflag:s28] =	ssyncset.done $0x0  }
0xd7: {  	s2 =	simm.s32 $0x9C00;
	[sflag:s28] =	ssyncadd.s32 $0xFFFFFF80  }
0xd8: {  	[spmem:s1] =	stream.indirect.scatter.add.f32 [tilespmem:s20], [sflag:$0x5], $0x1, s2, s17, $0xb8;
	[tilespmem:$0xAC80] =	vst v63  }
0xd9: {  	_ =	swait.ge [sflag:s14], $0x80  }
0xda: {  	[sflag:s14] =	ssyncset.done $0x0  }
0xdb: {  	s25 =	simm.s32 $0x7600;
	[sflag:s14] =	ssyncadd.s32 $0xFFFFFF80  }
0xdc: {  	[tilespmem:s20], [sflag:$0x1] =	stream.indirect.gather [spmem:s3], $0x1, s25, s17, $0xb8;
	[tilespmem:$0xAC80] =	vst v63  }
0xdd: {  	_ =	swait.ge [sflag:s29], $0x80  }
0xde: {  	[sflag:s29] =	ssyncset.done $0x0  }
0xdf: {  	s23 =	simm.s32 $0x9C80;
	[sflag:s29] =	ssyncadd.s32 $0xFFFFFF80  }
0xe0: {  	[spmem:s1] =	stream.indirect.scatter.add.f32 [tilespmem:s22], [sflag:$0x5], $0x1, s23, s17, $0xb8;
	[tilespmem:$0xAC80] =	vst v63  }
0xe1: {  	_ =	swait.ge [sflag:s14], $0x80  }
0xe2: {  	[sflag:s14] =	ssyncset.done $0x0  }
0xe3: {  	s25 =	simm.s32 $0x7680;
	[sflag:s14] =	ssyncadd.s32 $0xFFFFFF80  }
0xe4: {  	[tilespmem:s22], [sflag:$0x2] =	stream.indirect.gather [spmem:s3], $0x1, s25, s17, $0xb8;
	[tilespmem:$0xAC80] =	vst v63  }
0xe5: {  	_ =	swait.ge [sflag:s30], $0x80  }
0xe6: {  	[sflag:s30] =	ssyncset.done $0x0  }
0xe7: {  	s23 =	simm.s32 $0x9D00;
	[sflag:s30] =	ssyncadd.s32 $0xFFFFFF80  }
0xe8: {  	[spmem:s1] =	stream.indirect.scatter.add.f32 [tilespmem:s24], [sflag:$0x5], $0x1, s23, s17, $0xb8;
	[tilespmem:$0xAC80] =	vst v63  }
0xe9: {  	_ =	swait.ge [sflag:s14], $0x80  }
0xea: {  	[sflag:s14] =	ssyncset.done $0x0  }
0xeb: {  	s25 =	simm.s32 $0x7700;
	[sflag:s14] =	ssyncadd.s32 $0xFFFFFF80  }
0xec: {  	[tilespmem:s24], [sflag:$0x3] =	stream.indirect.gather [spmem:s3], $0x1, s25, s17, $0xb8;
	[tilespmem:$0xAC80] =	vst v63  }
0xed: {  	_ =	swait.ge [sflag:s31], $0x80  }
0xee: {  	[sflag:s31] =	ssyncset.done $0x0  }
0xef: {  	s23 =	simm.s32 $0x9D80;
	[sflag:s31] =	ssyncadd.s32 $0xFFFFFF80  }
0xf0: {  	[spmem:s1] =	stream.indirect.scatter.add.f32 [tilespmem:s26], [sflag:$0x5], $0x1, s23, s17, $0xb8;
	[tilespmem:$0xAC80] =	vst v63  }
0xf1: {  	_ =	swait.ge [sflag:s14], $0x80  }
0xf2: {  	[sflag:s14] =	ssyncset.done $0x0  }
0xf3: {  	[sflag:s14] =	ssyncadd.s32 $0xFFFFFF80  }
0xf4: {  	[tilespmem:s26], [sflag:$0x4] =	stream.indirect.gather [spmem:s3], $0x1, s21, s17, $0xb8;
	[tilespmem:$0xAC80] =	vst v63  }
0xf5: {  	_ =	swait.ge [sflag:s28], $0x80  }
0xf6: {  	[sflag:s28] =	ssyncset.done $0x0  }
0xf7: {  	s25 =	simm.s32 $0x9E00;
	[sflag:s28] =	ssyncadd.s32 $0xFFFFFF80  }
0xf8: {  	[spmem:s1] =	stream.indirect.scatter.add.f32 [tilespmem:s20], [sflag:$0x5], $0x1, s25, s17, $0xb8;
	[tilespmem:$0xAC80] =	vst v63  }
0xf9: {  	_ =	swait.ge [sflag:s14], $0x80  }
0xfa: {  	[sflag:s14] =	ssyncset.done $0x0  }
0xfb: {  	[sflag:s14] =	ssyncadd.s32 $0xFFFFFF80  }
0xfc: {  	[tilespmem:s20], [sflag:$0x1] =	stream.indirect.gather [spmem:s3], $0x1, s21, s17, $0xb8;
	[tilespmem:$0xAC80] =	vst v63  }
0xfd: {  	_ =	swait.ge [sflag:s29], $0x80  }
0xfe: {  	[sflag:s29] =	ssyncset.done $0x0  }
0xff: {  	s23 =	simm.s32 $0x9E80;
	[sflag:s29] =	ssyncadd.s32 $0xFFFFFF80  }
0x100: {  	[spmem:s1] =	stream.indirect.scatter.add.f32 [tilespmem:s22], [sflag:$0x5], $0x1, s23, s17, $0xb8;
	[tilespmem:$0xAC80] =	vst v63  }
0x101: {  	_ =	swait.ge [sflag:s14], $0x80  }
0x102: {  	[sflag:s14] =	ssyncset.done $0x0  }
0x103: {  	[sflag:s14] =	ssyncadd.s32 $0xFFFFFF80  }
0x104: {  	[tilespmem:s22], [sflag:$0x2] =	stream.indirect.gather [spmem:s3], $0x1, s21, s17, $0xb8;
	[tilespmem:$0xAC80] =	vst v63  }
0x105: {  	_ =	swait.ge [sflag:s30], $0x80  }
0x106: {  	[sflag:s30] =	ssyncset.done $0x0  }
0x107: {  	s25 =	simm.s32 $0x9F00;
	[sflag:s30] =	ssyncadd.s32 $0xFFFFFF80  }
0x108: {  	[spmem:s1] =	stream.indirect.scatter.add.f32 [tilespmem:s24], [sflag:$0x5], $0x1, s25, s17, $0xb8;
	[tilespmem:$0xAC80] =	vst v63  }
0x109: {  	_ =	swait.ge [sflag:s14], $0x80  }
0x10a: {  	[sflag:s14] =	ssyncset.done $0x0  }
0x10b: {  	[sflag:s14] =	ssyncadd.s32 $0xFFFFFF80  }
0x10c: {  	[tilespmem:s24], [sflag:$0x3] =	stream.indirect.gather [spmem:s3], $0x1, s21, s17, $0xb8;
	[tilespmem:$0xAC80] =	vst v63  }
0x10d: {  	_ =	swait.ge [sflag:s31], $0x80  }
0x10e: {  	[sflag:s31] =	ssyncset.done $0x0  }
0x10f: {  	[sflag:s31] =	ssyncadd.s32 $0xFFFFFF80  }
0x110: {  	[spmem:s1] =	stream.indirect.scatter.add.f32 [tilespmem:s26], [sflag:$0x5], $0x1, s0, s17, $0xb8;
	[tilespmem:$0xAC80] =	vst v63  }
0x111: {  	_ =	swait.ge [sflag:s14], $0x80  }
0x112: {  	[sflag:s14] =	ssyncset.done $0x0  }
0x113: {  	[sflag:s14] =	ssyncadd.s32 $0xFFFFFF80  }
0x114: {  	[tilespmem:s26], [sflag:$0x4] =	stream.indirect.gather [spmem:s3], $0x1, s21, s17, $0xb8;
	[tilespmem:$0xAC80] =	vst v63  }
0x115: {  	_ =	swait.ge [sflag:s28], $0x80  }
0x116: {  	[sflag:s28] =	ssyncset.done $0x0  }
0x117: {  	[sflag:s28] =	ssyncadd.s32 $0xFFFFFF80  }
0x118: {  	_ =	swait.ge [sflag:s29], $0x80  }
0x119: {  	[sflag:s29] =	ssyncset.done $0x0  }
0x11a: {  	[sflag:s29] =	ssyncadd.s32 $0xFFFFFF80  }
0x11b: {  	_ =	swait.ge [sflag:s30], $0x80  }
0x11c: {  	[sflag:s30] =	ssyncset.done $0x0  }
0x11d: {  	[sflag:s30] =	ssyncadd.s32 $0xFFFFFF80  }
0x11e: {  	s23 =	stileid.u32;
	_ =	swait.ge [sflag:s31], $0x80  }
0x11f: {  	s16 =	sadd.s32 $0x1, s16;
	s2 =	sshll.u32 s23, $0x6;
	[sflag:s31] =	ssyncset.done $0x0  }
0x120: {  	p0 =	sne.s32 s16, s12;
	s2 =	sor.u32 $0x1C05, s2;
	[sflag:s31] =	ssyncadd.s32 $0xFFFFFF80  }
.Ltmp3:
0x121: {  	s25 =	sshrl.u32 s5, $0x3;
	[bflag:$0x0] =	sbarrier.arrive $0xFFFF;
	(pc) =	sbr.rel @p0 .LBB2_1-.Ltmp3, $4  }
0x122: {  	[hbm:s11], [sflag:s2] =	dma.local [spmem:s25], $0x50  }
0x123: {  	_ =	swait.ge [sflag:s14], $0x50  }
0x124: {  	[sflag:s14] =	ssyncset.done $0x0  }
0x125: {  	[sflag:s14] =	ssyncadd.s32 $0xFFFFFFB0  }
0x126: {  	_ =	sfence.sel $0x180000  }
0x127: {  	[bflag:$0x0] =	sbarrier.arrive $0xFFFF  }
0x128: {  	_ =	strace $0x90000047  }
0x129: {  	s0 =	stileid.u32;
	[bflag:$0x2] =	sbarrier.arrive $0xFFFF  }
0x12a: {  	p0 =	sne.s32 s0, $0x0;
	s0 =	rddreg [dreg:$0x4]  }
0x12b: {  	s0 =	sadd.s32 @!p0 $0x100000, s0  }
0x12c: {  	[sflag:s0] =	ssyncadd.tile.s32 @!p0 $0x1;
	_ =	shalt  }
.Lfunc_end2:
_tile_overlayer_lowered:
.L_overlay_start_2:
0x12d: {  	(tag) =	ssettag $0x2  }
0x12e: {  	s0 =	rddreg [dreg:$0x0];
	s2 =	stileid.u32  }
0x12f: {  	s1 =	rddreg [dreg:$0x1];
	p0 =	sne.s32 s2, $0x0  }
0x130: {  	s3 =	rddreg [dreg:$0x2];
	[bflag:$0x3] =	sbarrier.arrive $0xFFFF;
	s2 =	simm.s32 @!p0 $0x1C05  }
0x131: {  	[timem:s3], [sflag:s2] =	dma.local @!p0 [hbm:s0], s1  }
0x132: {  	s0 =	simm.s32 @!p0 $0x5  }
0x133: {  	_ =	swait.ge @!p0 [sflag:s0], s1  }
0x134: {  	s1 =	ssub.s32 @!p0 $0x0, s1;
	[sflag:s0] =	ssyncset.done @!p0 $0x0  }
0x135: {  	[sflag:s0] =	ssyncadd.s32 @!p0 s1  }
0x136: {  	[bflag:$0x3] =	sbarrier.arrive $0xFFFF  }
0x137: {  	_ =	shalt  }

</sc_bundles>
